<compile_context>
chip_gen: v7x
topology: tpu7x:2x2x1
jax: 0.10.2.dev20260603
libtpu: 0.0.44.dev20260713+nightly
codegen_flags: <defaults>
</compile_context>

<pallas_src>
import jax
import jax.numpy as jnp
from jax import lax
from jax.experimental import pallas as pl
from jax.experimental.pallas import tpu as pltpu
from jax.experimental.pallas import tpu_sc as plsc

B = 16384
H = W = 7
CIN = 3
COUT = 20

NC, NS, L = 2, 16, 16
NW = NC * NS
BCH = 256
KCH = B // (NW * BCH)

_CH_LOC = [(0, c) for c in range(11)] + [(1, c) for c in range(6)] + \
          [(2, c) for c in range(3)]


def _sc_body(x_hbm, out_hbm, x_v0, x_v1, o_v0, o_v1,
             sx0, sx1, so0, so1):
    wid = lax.axis_index("s") * NC + lax.axis_index("c")
    xv = (x_v0, x_v1)
    sx = (sx0, sx1)
    slabs = (o_v0, o_v1)
    so = (so0, so1)

    dx = []
    for k in range(KCH):
        b0 = (wid * KCH + k) * BCH
        dx.append(pltpu.async_copy(
            x_hbm.at[:, :, :, pl.ds(b0, BCH)], xv[k], sx[k]))

    def compute_slab(x_k, slab, c):
        ge11 = (c >= 11).astype(jnp.int32)
        ge17 = (c >= 17).astype(jnp.int32)
        ch = ge11 + ge17
        loc = c - 11 * ge11 - 6 * ge17

        jpw = BCH // L

        @plsc.parallel_loop(0, H * W * jpw, unroll=16)
        def body(i):
            hw = lax.shift_right_logical(i, 4)
            j = lax.bitwise_and(i, jpw - 1)
            h = hw // W
            w = hw - W * h
            v = x_k[h, ch, w, pl.ds(j * L, L)]
            slab[h, w, pl.ds(j * L, L)] = jnp.where(
                v == loc, jnp.float32(1.0), jnp.float32(0.0))

    for k in range(KCH):
        b0 = (wid * KCH + k) * BCH
        dx[k].wait()
        x_k = xv[k]

        def pair(i, carry, *, _x=x_k, _b0=b0, _k=k):
            for p in range(2):
                c = 2 * i + p
                dst = out_hbm.at[c, :, :, pl.ds(_b0, BCH)]

                def wait_prev(*, _p=p, _dst=dst):
                    pltpu.make_async_copy(slabs[_p], _dst, so[_p]).wait()

                if _k == 0:
                    pl.when(i > 0)(wait_prev)
                else:
                    wait_prev()
                compute_slab(_x, slabs[p], c)
                pltpu.async_copy(slabs[p], dst, so[p])
            return carry

        lax.fori_loop(0, COUT // 2, pair, None)

    b_last = (wid * KCH + KCH - 1) * BCH
    for p in range(2):
        pltpu.make_async_copy(
            slabs[p], out_hbm.at[18 + p, :, :, pl.ds(b_last, BCH)],
            so[p]).wait()


_SC_CALL = None


def _get_sc_call():
    global _SC_CALL
    if _SC_CALL is None:
        mesh = plsc.VectorSubcoreMesh(
            core_axis_name="c", subcore_axis_name="s",
            num_cores=NC, num_subcores=NS)
        _SC_CALL = pl.kernel(
            _sc_body,
            out_type=jax.ShapeDtypeStruct((COUT, H, W, B), jnp.float32),
            mesh=mesh,
            scratch_types=[
                pltpu.VMEM((H, CIN, W, BCH), jnp.int32),
                pltpu.VMEM((H, CIN, W, BCH), jnp.int32),
                pltpu.VMEM((H, W, BCH), jnp.float32),
                pltpu.VMEM((H, W, BCH), jnp.float32),
                pltpu.SemaphoreType.DMA,
                pltpu.SemaphoreType.DMA,
                pltpu.SemaphoreType.DMA,
                pltpu.SemaphoreType.DMA,
            ],
        )
    return _SC_CALL


def kernel(x):
    x_phys = jnp.transpose(x, (1, 3, 2, 0))
    out_phys = _get_sc_call()(x_phys)
    return jnp.transpose(out_phys, (3, 0, 1, 2))

# --- scband reference (transcript-rebuilt; emitter-appended) ---
"""Pipeline reference for scband-mini-grid-index-to-one-hot-3410204033461 (READ-ONLY COPY).

The authoritative reference and input builder live on the scoring server;
editing this copy changes nothing except your own understanding.
"""

import jax, jax.numpy as jnp
import numpy as np

def setup_inputs(seed: int = 0) -> dict:
    key = jax.random.key(seed)
    x = jax.random.randint(key, (16384, 7, 7, 3), 0, 3, dtype=jnp.int64 if jax.config.jax_enable_x64 else jnp.int32)
    x = x.astype(jnp.int32)
    return {"x": x}

def reference(x) -> jnp.ndarray:
    # one_hot per channel with MiniGrid cardinalities: object=11, color=6, state=3
    oh0 = jax.nn.one_hot(x[..., 0].astype(jnp.int32), 11, dtype=jnp.float32)
    oh1 = jax.nn.one_hot(x[..., 1].astype(jnp.int32), 6, dtype=jnp.float32)
    oh2 = jax.nn.one_hot(x[..., 2].astype(jnp.int32), 3, dtype=jnp.float32)
    out = jnp.concatenate([oh0, oh1, oh2], axis=-1)  # [B, 7, 7, 20]
    out = jnp.transpose(out, (0, 3, 1, 2))  # [B, 20, 7, 7] channels-first
    return out

if __name__ == "__main__":
    import jax
    _d = setup_inputs()
    print(jax.jit(kernel)(*tuple(_d.values())))

</pallas_src>

<mosaic_0001>
#map = affine_map<(d0, d1) -> (0, 0, 0, 0)>
module attributes {stable_mosaic.version = 14 : i64} {
  func.func @_sc_body(%arg0: i32, %arg1: i32, %arg2: memref<7x3x7x16384xi32, #tpu.memory_space<hbm>>, %arg3: memref<20x7x7x16384xf32, #tpu.memory_space<hbm>>, %arg4: memref<7x3x7x256xi32, #tpu.memory_space<vmem>>, %arg5: memref<7x3x7x256xi32, #tpu.memory_space<vmem>>, %arg6: memref<7x7x256xf32, #tpu.memory_space<vmem>>, %arg7: memref<7x7x256xf32, #tpu.memory_space<vmem>>, %arg8: memref<!tpu.dma_semaphore, #tpu.memory_space<semaphore_mem>>, %arg9: memref<!tpu.dma_semaphore, #tpu.memory_space<semaphore_mem>>, %arg10: memref<!tpu.dma_semaphore, #tpu.memory_space<semaphore_mem>>, %arg11: memref<!tpu.dma_semaphore, #tpu.memory_space<semaphore_mem>>) attributes {dimension_semantics = [#tpu.dimension_semantics<core_parallel>, #tpu.dimension_semantics<subcore_parallel>], iteration_bounds = array<i64: 2, 16>, scalar_prefetch = 0 : i64, scratch_operands = 8 : i64, tpu.core_type = #tpu.core_type<sc_vector_subcore>, window_params = [{transform_indices = #map}, {transform_indices = #map}]} {
    %mul3A = arith.constant 2 : i32
    %mul3A_0 = arith.muli %arg1, %mul3A : i32
    %add3A = arith.addi %mul3A_0, %arg0 : i32
    %mul3A_1 = arith.constant 2 : i32
    %mul3A_2 = arith.muli %add3A, %mul3A_1 : i32
    %add3A_3 = arith.constant 0 : i32
    %add3A_4 = arith.addi %mul3A_2, %add3A_3 : i32
    %mul3A_5 = arith.constant 256 : i32
    %mul3A_6 = arith.muli %add3A_4, %mul3A_5 : i32
    %dma_start3A = arith.constant 0 : i32
    %dma_start3A_7 = arith.constant 0 : i32
    %dma_start3A_8 = arith.constant 0 : i32
    %dma_start3A_9 = tpu.memref_slice %arg2[%dma_start3A, %dma_start3A_7, %dma_start3A_8, %mul3A_6] : memref<7x3x7x16384xi32, #tpu.memory_space<hbm>> -> memref<7x3x7x256xi32, #tpu.memory_space<hbm>>
    %dma_start3A_10 = arith.constant 0 : i32
    %dma_start3A_11 = arith.constant 0 : i32
    %dma_start3A_12 = arith.constant 0 : i32
    %dma_start3A_13 = tpu.memref_slice %arg2[%dma_start3A_10, %dma_start3A_11, %dma_start3A_12, %mul3A_6] : memref<7x3x7x16384xi32, #tpu.memory_space<hbm>> -> memref<7x3x7x256xi32, #tpu.memory_space<hbm>>
    tpu.enqueue_dma source(%dma_start3A_13 : memref<7x3x7x256xi32, #tpu.memory_space<hbm>>) target(%arg4 : memref<7x3x7x256xi32, #tpu.memory_space<vmem>>) target_semaphore(%arg8 : memref<!tpu.dma_semaphore, #tpu.memory_space<semaphore_mem>>)
    %mul3A_14 = arith.constant 2 : i32
    %mul3A_15 = arith.muli %add3A, %mul3A_14 : i32
    %add3A_16 = arith.constant 1 : i32
    %add3A_17 = arith.addi %mul3A_15, %add3A_16 : i32
    %mul3A_18 = arith.constant 256 : i32
    %mul3A_19 = arith.muli %add3A_17, %mul3A_18 : i32
    %dma_start3A_20 = arith.constant 0 : i32
    %dma_start3A_21 = arith.constant 0 : i32
    %dma_start3A_22 = arith.constant 0 : i32
    %dma_start3A_23 = tpu.memref_slice %arg2[%dma_start3A_20, %dma_start3A_21, %dma_start3A_22, %mul3A_19] : memref<7x3x7x16384xi32, #tpu.memory_space<hbm>> -> memref<7x3x7x256xi32, #tpu.memory_space<hbm>>
    %dma_start3A_24 = arith.constant 0 : i32
    %dma_start3A_25 = arith.constant 0 : i32
    %dma_start3A_26 = arith.constant 0 : i32
    %dma_start3A_27 = tpu.memref_slice %arg2[%dma_start3A_24, %dma_start3A_25, %dma_start3A_26, %mul3A_19] : memref<7x3x7x16384xi32, #tpu.memory_space<hbm>> -> memref<7x3x7x256xi32, #tpu.memory_space<hbm>>
    tpu.enqueue_dma source(%dma_start3A_27 : memref<7x3x7x256xi32, #tpu.memory_space<hbm>>) target(%arg5 : memref<7x3x7x256xi32, #tpu.memory_space<vmem>>) target_semaphore(%arg9 : memref<!tpu.dma_semaphore, #tpu.memory_space<semaphore_mem>>)
    %mul3A_28 = arith.constant 2 : i32
    %mul3A_29 = arith.muli %add3A, %mul3A_28 : i32
    %add3A_30 = arith.constant 0 : i32
    %add3A_31 = arith.addi %mul3A_29, %add3A_30 : i32
    %mul3A_32 = arith.constant 256 : i32
    %mul3A_33 = arith.muli %add3A_31, %mul3A_32 : i32
    %dma_wait3A = arith.constant 0 : i32
    %dma_wait3A_34 = arith.constant 0 : i32
    %dma_wait3A_35 = arith.constant 0 : i32
    %dma_wait3A_36 = tpu.memref_slice %arg2[%dma_wait3A, %dma_wait3A_34, %dma_wait3A_35, %mul3A_6] : memref<7x3x7x16384xi32, #tpu.memory_space<hbm>> -> memref<7x3x7x256xi32, #tpu.memory_space<hbm>>
    %dma_wait3A_37 = arith.constant 0 : i32
    %dma_wait3A_38 = arith.constant 0 : i32
    %dma_wait3A_39 = arith.constant 0 : i32
    %dma_wait3A_40 = tpu.memref_slice %arg2[%dma_wait3A_37, %dma_wait3A_38, %dma_wait3A_39, %mul3A_6] : memref<7x3x7x16384xi32, #tpu.memory_space<hbm>> -> memref<7x3x7x256xi32, #tpu.memory_space<hbm>>
    tpu.wait_dma2 semaphore(%arg8 : memref<!tpu.dma_semaphore, #tpu.memory_space<semaphore_mem>>) src(%dma_wait3A_40 : memref<7x3x7x256xi32, #tpu.memory_space<hbm>>) dst(%arg4 : memref<7x3x7x256xi32, #tpu.memory_space<vmem>>)
    %scan3A = arith.constant 0 : i32
    %scan3A_41 = arith.constant 10 : i32
    %scan3A_42 = arith.addi %scan3A, %scan3A_41 : i32
    %scan3A_43 = arith.constant 1 : i32
    scf.for %scan3A_89 = %scan3A to %scan3A_42 step %scan3A_43  : i32 {
      %mul3A_90 = arith.constant 2 : i32
      %mul3A_91 = arith.muli %mul3A_90, %scan3A_89 : i32
      %add3A_92 = arith.constant 0 : i32
      %add3A_93 = arith.addi %mul3A_91, %add3A_92 : i32
      %gt3A = arith.constant 0 : i32
      %gt3A_94 = arith.cmpi sgt, %scan3A_89, %gt3A : i32
      %convert_element_type3A = arith.extui %gt3A_94 : i1 to i32
      %cond3A = arith.constant 0 : i32
      %cond3A_95 = arith.cmpi ne, %convert_element_type3A, %cond3A : i32
      scf.if %cond3A_95 {
        %dma_wait3A_151 = arith.constant 0 : i32
        %dma_wait3A_152 = arith.constant 0 : i32
        %dma_wait3A_153 = tpu.memref_slice %arg3[%add3A_93, %dma_wait3A_151, %dma_wait3A_152, %mul3A_33] : memref<20x7x7x16384xf32, #tpu.memory_space<hbm>> -> memref<1x7x7x256xf32, #tpu.memory_space<hbm>>
        %dma_wait3A_154 = tpu.memref_squeeze %dma_wait3A_153 : memref<1x7x7x256xf32, #tpu.memory_space<hbm>> -> memref<7x7x256xf32, #tpu.memory_space<hbm>>
        %dma_wait3A_155 = arith.constant 0 : i32
        %dma_wait3A_156 = arith.constant 0 : i32
        %dma_wait3A_157 = tpu.memref_slice %arg3[%add3A_93, %dma_wait3A_155, %dma_wait3A_156, %mul3A_33] : memref<20x7x7x16384xf32, #tpu.memory_space<hbm>> -> memref<1x7x7x256xf32, #tpu.memory_space<hbm>>
        %dma_wait3A_158 = tpu.memref_squeeze %dma_wait3A_157 : memref<1x7x7x256xf32, #tpu.memory_space<hbm>> -> memref<7x7x256xf32, #tpu.memory_space<hbm>>
        tpu.wait_dma2 semaphore(%arg10 : memref<!tpu.dma_semaphore, #tpu.memory_space<semaphore_mem>>) src(%arg6 : memref<7x7x256xf32, #tpu.memory_space<vmem>>) dst(%dma_wait3A_158 : memref<7x7x256xf32, #tpu.memory_space<hbm>>)
      } else {
      }
      %ge3A = arith.constant 11 : i32
      %ge3A_96 = arith.cmpi sge, %add3A_93, %ge3A : i32
      %convert_element_type3A_97 = arith.extui %ge3A_96 : i1 to i32
      %ge3A_98 = arith.constant 17 : i32
      %ge3A_99 = arith.cmpi sge, %add3A_93, %ge3A_98 : i32
      %convert_element_type3A_100 = arith.extui %ge3A_99 : i1 to i32
      %add3A_101 = arith.addi %convert_element_type3A_97, %convert_element_type3A_100 : i32
      %mul3A_102 = arith.constant 11 : i32
      %mul3A_103 = arith.muli %mul3A_102, %convert_element_type3A_97 : i32
      %sub3A_104 = arith.subi %add3A_93, %mul3A_103 : i32
      %mul3A_105 = arith.constant 6 : i32
      %mul3A_106 = arith.muli %mul3A_105, %convert_element_type3A_100 : i32
      %sub3A_107 = arith.subi %sub3A_104, %mul3A_106 : i32
      %parallel_loop3A = arith.constant 0 : i32
      %parallel_loop3A_108 = arith.constant 784 : i32
      %parallel_loop3A_109 = arith.constant 1 : i32
      scf.for %parallel_loop3A_151 = %parallel_loop3A to %parallel_loop3A_108 step %parallel_loop3A_109  : i32 {
        %parallel_loop3A_152 = arith.constant 4 : i32
        %parallel_loop3A_153 = arith.shrui %parallel_loop3A_151, %parallel_loop3A_152 : i32
        %parallel_loop3A_154 = arith.constant 15 : i32
        %parallel_loop3A_155 = arith.andi %parallel_loop3A_151, %parallel_loop3A_154 : i32
        %parallel_loop3A_156 = arith.constant 7 : i32
        %parallel_loop3A_157 = arith.divsi %parallel_loop3A_153, %parallel_loop3A_156 : i32
        %parallel_loop3A_158 = arith.constant 0 : i32
        %parallel_loop3A_159 = arith.cmpi sgt, %parallel_loop3A_153, %parallel_loop3A_158 : i32
        %parallel_loop3A_160 = arith.extui %parallel_loop3A_159 : i1 to i32
        %parallel_loop3A_161 = arith.constant 0 : i32
        %parallel_loop3A_162 = arith.cmpi slt, %parallel_loop3A_153, %parallel_loop3A_161 : i32
        %parallel_loop3A_163 = arith.extui %parallel_loop3A_162 : i1 to i32
        %parallel_loop3A_164 = arith.subi %parallel_loop3A_160, %parallel_loop3A_163 : i32
        %parallel_loop3A_165 = arith.constant 0 : i32
        %parallel_loop3A_166 = arith.cmpi sgt, %parallel_loop3A_156, %parallel_loop3A_165 : i32
        %parallel_loop3A_167 = arith.extui %parallel_loop3A_166 : i1 to i32
        %parallel_loop3A_168 = arith.constant 0 : i32
        %parallel_loop3A_169 = arith.cmpi slt, %parallel_loop3A_156, %parallel_loop3A_168 : i32
        %parallel_loop3A_170 = arith.extui %parallel_loop3A_169 : i1 to i32
        %parallel_loop3A_171 = arith.subi %parallel_loop3A_167, %parallel_loop3A_170 : i32
        %parallel_loop3A_172 = arith.cmpi ne, %parallel_loop3A_164, %parallel_loop3A_171 : i32
        %parallel_loop3A_173 = arith.remsi %parallel_loop3A_153, %parallel_loop3A_156 : i32
        %parallel_loop3A_174 = arith.constant 0 : i32
        %parallel_loop3A_175 = arith.cmpi ne, %parallel_loop3A_173, %parallel_loop3A_174 : i32
        %parallel_loop3A_176 = arith.andi %parallel_loop3A_172, %parallel_loop3A_175 : i1
        %parallel_loop3A_177 = arith.constant 1 : i32
        %parallel_loop3A_178 = arith.subi %parallel_loop3A_157, %parallel_loop3A_177 : i32
        %parallel_loop3A_179 = arith.select %parallel_loop3A_176, %parallel_loop3A_178, %parallel_loop3A_157 : i32
        %parallel_loop3A_180 = arith.constant 7 : i32
        %parallel_loop3A_181 = arith.muli %parallel_loop3A_180, %parallel_loop3A_179 : i32
        %parallel_loop3A_182 = arith.subi %parallel_loop3A_153, %parallel_loop3A_181 : i32
        %parallel_loop3A_183 = arith.constant 16 : i32
        %parallel_loop3A_184 = arith.muli %parallel_loop3A_155, %parallel_loop3A_183 : i32
        %parallel_loop3A_185 = arith.index_cast %parallel_loop3A_179 : i32 to index
        %parallel_loop3A_186 = arith.index_cast %add3A_101 : i32 to index
        %parallel_loop3A_187 = arith.index_cast %parallel_loop3A_182 : i32 to index
        %parallel_loop3A_188 = arith.index_cast %parallel_loop3A_184 : i32 to index
        %parallel_loop3A_189 = tpu.vector_load %arg4[%parallel_loop3A_185, %parallel_loop3A_186, %parallel_loop3A_187, %parallel_loop3A_188] {strides = array<i32>} : memref<7x3x7x256xi32, #tpu.memory_space<vmem>>, vector<1x1x1x16xi32>,
        %parallel_loop3A_190 = vector.shape_cast %parallel_loop3A_189 : vector<1x1x1x16xi32> to vector<16xi32>
        %parallel_loop3A_191 = vector.broadcast %sub3A_107 : i32 to vector<16xi32>
        %parallel_loop3A_192 = arith.cmpi eq, %parallel_loop3A_190, %parallel_loop3A_191 : vector<16xi32>
        %parallel_loop3A_193 = arith.constant 1.000000e+00 : f32
        %parallel_loop3A_194 = arith.constant 0.000000e+00 : f32
        %parallel_loop3A_195 = vector.broadcast %parallel_loop3A_193 : f32 to vector<16xf32>
        %parallel_loop3A_196 = vector.broadcast %parallel_loop3A_194 : f32 to vector<16xf32>
        %parallel_loop3A_197 = arith.select %parallel_loop3A_192, %parallel_loop3A_195, %parallel_loop3A_196 : vector<16xi1>, vector<16xf32>
        %parallel_loop3A_198 = arith.constant 16 : i32
        %parallel_loop3A_199 = arith.muli %parallel_loop3A_155, %parallel_loop3A_198 : i32
        %parallel_loop3A_200 = arith.index_cast %parallel_loop3A_179 : i32 to index
        %parallel_loop3A_201 = arith.index_cast %parallel_loop3A_182 : i32 to index
        %parallel_loop3A_202 = arith.index_cast %parallel_loop3A_199 : i32 to index
        %parallel_loop3A_203 = tpu.vector_load %arg6[%parallel_loop3A_200, %parallel_loop3A_201, %parallel_loop3A_202] {strides = array<i32>} : memref<7x7x256xf32, #tpu.memory_space<vmem>>, vector<1x1x16xf32>,
        %parallel_loop3A_204 = vector.shape_cast %parallel_loop3A_203 : vector<1x1x16xf32> to vector<16xf32>
        %parallel_loop3A_205 = vector.shape_cast %parallel_loop3A_197 : vector<16xf32> to vector<1x1x16xf32>
        tpu.vector_store %arg6[%parallel_loop3A_200, %parallel_loop3A_201, %parallel_loop3A_202], %parallel_loop3A_205 {strides = array<i32>} : memref<7x7x256xf32, #tpu.memory_space<vmem>>, vector<1x1x16xf32>,
      } {sc.loop_unroll_factor = 16 : i64, sc.parallel_access}
      %dma_start3A_110 = arith.constant 0 : i32
      %dma_start3A_111 = arith.constant 0 : i32
      %dma_start3A_112 = tpu.memref_slice %arg3[%add3A_93, %dma_start3A_110, %dma_start3A_111, %mul3A_33] : memref<20x7x7x16384xf32, #tpu.memory_space<hbm>> -> memref<1x7x7x256xf32, #tpu.memory_space<hbm>>
      %dma_start3A_113 = tpu.memref_squeeze %dma_start3A_112 : memref<1x7x7x256xf32, #tpu.memory_space<hbm>> -> memref<7x7x256xf32, #tpu.memory_space<hbm>>
      %dma_start3A_114 = arith.constant 0 : i32
      %dma_start3A_115 = arith.constant 0 : i32
      %dma_start3A_116 = tpu.memref_slice %arg3[%add3A_93, %dma_start3A_114, %dma_start3A_115, %mul3A_33] : memref<20x7x7x16384xf32, #tpu.memory_space<hbm>> -> memref<1x7x7x256xf32, #tpu.memory_space<hbm>>
      %dma_start3A_117 = tpu.memref_squeeze %dma_start3A_116 : memref<1x7x7x256xf32, #tpu.memory_space<hbm>> -> memref<7x7x256xf32, #tpu.memory_space<hbm>>
      tpu.enqueue_dma source(%arg6 : memref<7x7x256xf32, #tpu.memory_space<vmem>>) target(%dma_start3A_117 : memref<7x7x256xf32, #tpu.memory_space<hbm>>) target_semaphore(%arg10 : memref<!tpu.dma_semaphore, #tpu.memory_space<semaphore_mem>>)
      %mul3A_118 = arith.constant 2 : i32
      %mul3A_119 = arith.muli %mul3A_118, %scan3A_89 : i32
      %add3A_120 = arith.constant 1 : i32
      %add3A_121 = arith.addi %mul3A_119, %add3A_120 : i32
      %gt3A_122 = arith.constant 0 : i32
      %gt3A_123 = arith.cmpi sgt, %scan3A_89, %gt3A_122 : i32
      %convert_element_type3A_124 = arith.extui %gt3A_123 : i1 to i32
      %cond3A_125 = arith.constant 0 : i32
      %cond3A_126 = arith.cmpi ne, %convert_element_type3A_124, %cond3A_125 : i32
      scf.if %cond3A_126 {
        %dma_wait3A_151 = arith.constant 0 : i32
        %dma_wait3A_152 = arith.constant 0 : i32
        %dma_wait3A_153 = tpu.memref_slice %arg3[%add3A_121, %dma_wait3A_151, %dma_wait3A_152, %mul3A_33] : memref<20x7x7x16384xf32, #tpu.memory_space<hbm>> -> memref<1x7x7x256xf32, #tpu.memory_space<hbm>>
        %dma_wait3A_154 = tpu.memref_squeeze %dma_wait3A_153 : memref<1x7x7x256xf32, #tpu.memory_space<hbm>> -> memref<7x7x256xf32, #tpu.memory_space<hbm>>
        %dma_wait3A_155 = arith.constant 0 : i32
        %dma_wait3A_156 = arith.constant 0 : i32
        %dma_wait3A_157 = tpu.memref_slice %arg3[%add3A_121, %dma_wait3A_155, %dma_wait3A_156, %mul3A_33] : memref<20x7x7x16384xf32, #tpu.memory_space<hbm>> -> memref<1x7x7x256xf32, #tpu.memory_space<hbm>>
        %dma_wait3A_158 = tpu.memref_squeeze %dma_wait3A_157 : memref<1x7x7x256xf32, #tpu.memory_space<hbm>> -> memref<7x7x256xf32, #tpu.memory_space<hbm>>
        tpu.wait_dma2 semaphore(%arg11 : memref<!tpu.dma_semaphore, #tpu.memory_space<semaphore_mem>>) src(%arg7 : memref<7x7x256xf32, #tpu.memory_space<vmem>>) dst(%dma_wait3A_158 : memref<7x7x256xf32, #tpu.memory_space<hbm>>)
      } else {
      }
      %ge3A_127 = arith.constant 11 : i32
      %ge3A_128 = arith.cmpi sge, %add3A_121, %ge3A_127 : i32
      %convert_element_type3A_129 = arith.extui %ge3A_128 : i1 to i32
      %ge3A_130 = arith.constant 17 : i32
      %ge3A_131 = arith.cmpi sge, %add3A_121, %ge3A_130 : i32
      %convert_element_type3A_132 = arith.extui %ge3A_131 : i1 to i32
      %add3A_133 = arith.addi %convert_element_type3A_129, %convert_element_type3A_132 : i32
      %mul3A_134 = arith.constant 11 : i32
      %mul3A_135 = arith.muli %mul3A_134, %convert_element_type3A_129 : i32
      %sub3A_136 = arith.subi %add3A_121, %mul3A_135 : i32
      %mul3A_137 = arith.constant 6 : i32
      %mul3A_138 = arith.muli %mul3A_137, %convert_element_type3A_132 : i32
      %sub3A_139 = arith.subi %sub3A_136, %mul3A_138 : i32
      %parallel_loop3A_140 = arith.constant 0 : i32
      %parallel_loop3A_141 = arith.constant 784 : i32
      %parallel_loop3A_142 = arith.constant 1 : i32
      scf.for %parallel_loop3A_151 = %parallel_loop3A_140 to %parallel_loop3A_141 step %parallel_loop3A_142  : i32 {
        %parallel_loop3A_152 = arith.constant 4 : i32
        %parallel_loop3A_153 = arith.shrui %parallel_loop3A_151, %parallel_loop3A_152 : i32
        %parallel_loop3A_154 = arith.constant 15 : i32
        %parallel_loop3A_155 = arith.andi %parallel_loop3A_151, %parallel_loop3A_154 : i32
        %parallel_loop3A_156 = arith.constant 7 : i32
        %parallel_loop3A_157 = arith.divsi %parallel_loop3A_153, %parallel_loop3A_156 : i32
        %parallel_loop3A_158 = arith.constant 0 : i32
        %parallel_loop3A_159 = arith.cmpi sgt, %parallel_loop3A_153, %parallel_loop3A_158 : i32
        %parallel_loop3A_160 = arith.extui %parallel_loop3A_159 : i1 to i32
        %parallel_loop3A_161 = arith.constant 0 : i32
        %parallel_loop3A_162 = arith.cmpi slt, %parallel_loop3A_153, %parallel_loop3A_161 : i32
        %parallel_loop3A_163 = arith.extui %parallel_loop3A_162 : i1 to i32
        %parallel_loop3A_164 = arith.subi %parallel_loop3A_160, %parallel_loop3A_163 : i32
        %parallel_loop3A_165 = arith.constant 0 : i32
        %parallel_loop3A_166 = arith.cmpi sgt, %parallel_loop3A_156, %parallel_loop3A_165 : i32
        %parallel_loop3A_167 = arith.extui %parallel_loop3A_166 : i1 to i32
        %parallel_loop3A_168 = arith.constant 0 : i32
        %parallel_loop3A_169 = arith.cmpi slt, %parallel_loop3A_156, %parallel_loop3A_168 : i32
        %parallel_loop3A_170 = arith.extui %parallel_loop3A_169 : i1 to i32
        %parallel_loop3A_171 = arith.subi %parallel_loop3A_167, %parallel_loop3A_170 : i32
        %parallel_loop3A_172 = arith.cmpi ne, %parallel_loop3A_164, %parallel_loop3A_171 : i32
        %parallel_loop3A_173 = arith.remsi %parallel_loop3A_153, %parallel_loop3A_156 : i32
        %parallel_loop3A_174 = arith.constant 0 : i32
        %parallel_loop3A_175 = arith.cmpi ne, %parallel_loop3A_173, %parallel_loop3A_174 : i32
        %parallel_loop3A_176 = arith.andi %parallel_loop3A_172, %parallel_loop3A_175 : i1
        %parallel_loop3A_177 = arith.constant 1 : i32
        %parallel_loop3A_178 = arith.subi %parallel_loop3A_157, %parallel_loop3A_177 : i32
        %parallel_loop3A_179 = arith.select %parallel_loop3A_176, %parallel_loop3A_178, %parallel_loop3A_157 : i32
        %parallel_loop3A_180 = arith.constant 7 : i32
        %parallel_loop3A_181 = arith.muli %parallel_loop3A_180, %parallel_loop3A_179 : i32
        %parallel_loop3A_182 = arith.subi %parallel_loop3A_153, %parallel_loop3A_181 : i32
        %parallel_loop3A_183 = arith.constant 16 : i32
        %parallel_loop3A_184 = arith.muli %parallel_loop3A_155, %parallel_loop3A_183 : i32
        %parallel_loop3A_185 = arith.index_cast %parallel_loop3A_179 : i32 to index
        %parallel_loop3A_186 = arith.index_cast %add3A_133 : i32 to index
        %parallel_loop3A_187 = arith.index_cast %parallel_loop3A_182 : i32 to index
        %parallel_loop3A_188 = arith.index_cast %parallel_loop3A_184 : i32 to index
        %parallel_loop3A_189 = tpu.vector_load %arg4[%parallel_loop3A_185, %parallel_loop3A_186, %parallel_loop3A_187, %parallel_loop3A_188] {strides = array<i32>} : memref<7x3x7x256xi32, #tpu.memory_space<vmem>>, vector<1x1x1x16xi32>,
        %parallel_loop3A_190 = vector.shape_cast %parallel_loop3A_189 : vector<1x1x1x16xi32> to vector<16xi32>
        %parallel_loop3A_191 = vector.broadcast %sub3A_139 : i32 to vector<16xi32>
        %parallel_loop3A_192 = arith.cmpi eq, %parallel_loop3A_190, %parallel_loop3A_191 : vector<16xi32>
        %parallel_loop3A_193 = arith.constant 1.000000e+00 : f32
        %parallel_loop3A_194 = arith.constant 0.000000e+00 : f32
        %parallel_loop3A_195 = vector.broadcast %parallel_loop3A_193 : f32 to vector<16xf32>
        %parallel_loop3A_196 = vector.broadcast %parallel_loop3A_194 : f32 to vector<16xf32>
        %parallel_loop3A_197 = arith.select %parallel_loop3A_192, %parallel_loop3A_195, %parallel_loop3A_196 : vector<16xi1>, vector<16xf32>
        %parallel_loop3A_198 = arith.constant 16 : i32
        %parallel_loop3A_199 = arith.muli %parallel_loop3A_155, %parallel_loop3A_198 : i32
        %parallel_loop3A_200 = arith.index_cast %parallel_loop3A_179 : i32 to index
        %parallel_loop3A_201 = arith.index_cast %parallel_loop3A_182 : i32 to index
        %parallel_loop3A_202 = arith.index_cast %parallel_loop3A_199 : i32 to index
        %parallel_loop3A_203 = tpu.vector_load %arg7[%parallel_loop3A_200, %parallel_loop3A_201, %parallel_loop3A_202] {strides = array<i32>} : memref<7x7x256xf32, #tpu.memory_space<vmem>>, vector<1x1x16xf32>,
        %parallel_loop3A_204 = vector.shape_cast %parallel_loop3A_203 : vector<1x1x16xf32> to vector<16xf32>
        %parallel_loop3A_205 = vector.shape_cast %parallel_loop3A_197 : vector<16xf32> to vector<1x1x16xf32>
        tpu.vector_store %arg7[%parallel_loop3A_200, %parallel_loop3A_201, %parallel_loop3A_202], %parallel_loop3A_205 {strides = array<i32>} : memref<7x7x256xf32, #tpu.memory_space<vmem>>, vector<1x1x16xf32>,
      } {sc.loop_unroll_factor = 16 : i64, sc.parallel_access}
      %dma_start3A_143 = arith.constant 0 : i32
      %dma_start3A_144 = arith.constant 0 : i32
      %dma_start3A_145 = tpu.memref_slice %arg3[%add3A_121, %dma_start3A_143, %dma_start3A_144, %mul3A_33] : memref<20x7x7x16384xf32, #tpu.memory_space<hbm>> -> memref<1x7x7x256xf32, #tpu.memory_space<hbm>>
      %dma_start3A_146 = tpu.memref_squeeze %dma_start3A_145 : memref<1x7x7x256xf32, #tpu.memory_space<hbm>> -> memref<7x7x256xf32, #tpu.memory_space<hbm>>
      %dma_start3A_147 = arith.constant 0 : i32
      %dma_start3A_148 = arith.constant 0 : i32
      %dma_start3A_149 = tpu.memref_slice %arg3[%add3A_121, %dma_start3A_147, %dma_start3A_148, %mul3A_33] : memref<20x7x7x16384xf32, #tpu.memory_space<hbm>> -> memref<1x7x7x256xf32, #tpu.memory_space<hbm>>
      %dma_start3A_150 = tpu.memref_squeeze %dma_start3A_149 : memref<1x7x7x256xf32, #tpu.memory_space<hbm>> -> memref<7x7x256xf32, #tpu.memory_space<hbm>>
      tpu.enqueue_dma source(%arg7 : memref<7x7x256xf32, #tpu.memory_space<vmem>>) target(%dma_start3A_150 : memref<7x7x256xf32, #tpu.memory_space<hbm>>) target_semaphore(%arg11 : memref<!tpu.dma_semaphore, #tpu.memory_space<semaphore_mem>>)
    }
    %scan3A_44 = arith.constant 10 : i32
    %mul3A_45 = arith.constant 2 : i32
    %mul3A_46 = arith.muli %add3A, %mul3A_45 : i32
    %add3A_47 = arith.constant 1 : i32
    %add3A_48 = arith.addi %mul3A_46, %add3A_47 : i32
    %mul3A_49 = arith.constant 256 : i32
    %mul3A_50 = arith.muli %add3A_48, %mul3A_49 : i32
    %dma_wait3A_51 = arith.constant 0 : i32
    %dma_wait3A_52 = arith.constant 0 : i32
    %dma_wait3A_53 = arith.constant 0 : i32
    %dma_wait3A_54 = tpu.memref_slice %arg2[%dma_wait3A_51, %dma_wait3A_52, %dma_wait3A_53, %mul3A_19] : memref<7x3x7x16384xi32, #tpu.memory_space<hbm>> -> memref<7x3x7x256xi32, #tpu.memory_space<hbm>>
    %dma_wait3A_55 = arith.constant 0 : i32
    %dma_wait3A_56 = arith.constant 0 : i32
    %dma_wait3A_57 = arith.constant 0 : i32
    %dma_wait3A_58 = tpu.memref_slice %arg2[%dma_wait3A_55, %dma_wait3A_56, %dma_wait3A_57, %mul3A_19] : memref<7x3x7x16384xi32, #tpu.memory_space<hbm>> -> memref<7x3x7x256xi32, #tpu.memory_space<hbm>>
    tpu.wait_dma2 semaphore(%arg9 : memref<!tpu.dma_semaphore, #tpu.memory_space<semaphore_mem>>) src(%dma_wait3A_58 : memref<7x3x7x256xi32, #tpu.memory_space<hbm>>) dst(%arg5 : memref<7x3x7x256xi32, #tpu.memory_space<vmem>>)
    %scan3A_59 = arith.constant 0 : i32
    %scan3A_60 = arith.constant 10 : i32
    %scan3A_61 = arith.addi %scan3A_59, %scan3A_60 : i32
    %scan3A_62 = arith.constant 1 : i32
    scf.for %scan3A_89 = %scan3A_59 to %scan3A_61 step %scan3A_62  : i32 {
      %mul3A_90 = arith.constant 2 : i32
      %mul3A_91 = arith.muli %mul3A_90, %scan3A_89 : i32
      %add3A_92 = arith.constant 0 : i32
      %add3A_93 = arith.addi %mul3A_91, %add3A_92 : i32
      %dma_wait3A_94 = arith.constant 0 : i32
      %dma_wait3A_95 = arith.constant 0 : i32
      %dma_wait3A_96 = tpu.memref_slice %arg3[%add3A_93, %dma_wait3A_94, %dma_wait3A_95, %mul3A_50] : memref<20x7x7x16384xf32, #tpu.memory_space<hbm>> -> memref<1x7x7x256xf32, #tpu.memory_space<hbm>>
      %dma_wait3A_97 = tpu.memref_squeeze %dma_wait3A_96 : memref<1x7x7x256xf32, #tpu.memory_space<hbm>> -> memref<7x7x256xf32, #tpu.memory_space<hbm>>
      %dma_wait3A_98 = arith.constant 0 : i32
      %dma_wait3A_99 = arith.constant 0 : i32
      %dma_wait3A_100 = tpu.memref_slice %arg3[%add3A_93, %dma_wait3A_98, %dma_wait3A_99, %mul3A_50] : memref<20x7x7x16384xf32, #tpu.memory_space<hbm>> -> memref<1x7x7x256xf32, #tpu.memory_space<hbm>>
      %dma_wait3A_101 = tpu.memref_squeeze %dma_wait3A_100 : memref<1x7x7x256xf32, #tpu.memory_space<hbm>> -> memref<7x7x256xf32, #tpu.memory_space<hbm>>
      tpu.wait_dma2 semaphore(%arg10 : memref<!tpu.dma_semaphore, #tpu.memory_space<semaphore_mem>>) src(%arg6 : memref<7x7x256xf32, #tpu.memory_space<vmem>>) dst(%dma_wait3A_101 : memref<7x7x256xf32, #tpu.memory_space<hbm>>)
      %ge3A = arith.constant 11 : i32
      %ge3A_102 = arith.cmpi sge, %add3A_93, %ge3A : i32
      %convert_element_type3A = arith.extui %ge3A_102 : i1 to i32
      %ge3A_103 = arith.constant 17 : i32
      %ge3A_104 = arith.cmpi sge, %add3A_93, %ge3A_103 : i32
      %convert_element_type3A_105 = arith.extui %ge3A_104 : i1 to i32
      %add3A_106 = arith.addi %convert_element_type3A, %convert_element_type3A_105 : i32
      %mul3A_107 = arith.constant 11 : i32
      %mul3A_108 = arith.muli %mul3A_107, %convert_element_type3A : i32
      %sub3A_109 = arith.subi %add3A_93, %mul3A_108 : i32
      %mul3A_110 = arith.constant 6 : i32
      %mul3A_111 = arith.muli %mul3A_110, %convert_element_type3A_105 : i32
      %sub3A_112 = arith.subi %sub3A_109, %mul3A_111 : i32
      %parallel_loop3A = arith.constant 0 : i32
      %parallel_loop3A_113 = arith.constant 784 : i32
      %parallel_loop3A_114 = arith.constant 1 : i32
      scf.for %parallel_loop3A_159 = %parallel_loop3A to %parallel_loop3A_113 step %parallel_loop3A_114  : i32 {
        %parallel_loop3A_160 = arith.constant 4 : i32
        %parallel_loop3A_161 = arith.shrui %parallel_loop3A_159, %parallel_loop3A_160 : i32
        %parallel_loop3A_162 = arith.constant 15 : i32
        %parallel_loop3A_163 = arith.andi %parallel_loop3A_159, %parallel_loop3A_162 : i32
        %parallel_loop3A_164 = arith.constant 7 : i32
        %parallel_loop3A_165 = arith.divsi %parallel_loop3A_161, %parallel_loop3A_164 : i32
        %parallel_loop3A_166 = arith.constant 0 : i32
        %parallel_loop3A_167 = arith.cmpi sgt, %parallel_loop3A_161, %parallel_loop3A_166 : i32
        %parallel_loop3A_168 = arith.extui %parallel_loop3A_167 : i1 to i32
        %parallel_loop3A_169 = arith.constant 0 : i32
        %parallel_loop3A_170 = arith.cmpi slt, %parallel_loop3A_161, %parallel_loop3A_169 : i32
        %parallel_loop3A_171 = arith.extui %parallel_loop3A_170 : i1 to i32
        %parallel_loop3A_172 = arith.subi %parallel_loop3A_168, %parallel_loop3A_171 : i32
        %parallel_loop3A_173 = arith.constant 0 : i32
        %parallel_loop3A_174 = arith.cmpi sgt, %parallel_loop3A_164, %parallel_loop3A_173 : i32
        %parallel_loop3A_175 = arith.extui %parallel_loop3A_174 : i1 to i32
        %parallel_loop3A_176 = arith.constant 0 : i32
        %parallel_loop3A_177 = arith.cmpi slt, %parallel_loop3A_164, %parallel_loop3A_176 : i32
        %parallel_loop3A_178 = arith.extui %parallel_loop3A_177 : i1 to i32
        %parallel_loop3A_179 = arith.subi %parallel_loop3A_175, %parallel_loop3A_178 : i32
        %parallel_loop3A_180 = arith.cmpi ne, %parallel_loop3A_172, %parallel_loop3A_179 : i32
        %parallel_loop3A_181 = arith.remsi %parallel_loop3A_161, %parallel_loop3A_164 : i32
        %parallel_loop3A_182 = arith.constant 0 : i32
        %parallel_loop3A_183 = arith.cmpi ne, %parallel_loop3A_181, %parallel_loop3A_182 : i32
        %parallel_loop3A_184 = arith.andi %parallel_loop3A_180, %parallel_loop3A_183 : i1
        %parallel_loop3A_185 = arith.constant 1 : i32
        %parallel_loop3A_186 = arith.subi %parallel_loop3A_165, %parallel_loop3A_185 : i32
        %parallel_loop3A_187 = arith.select %parallel_loop3A_184, %parallel_loop3A_186, %parallel_loop3A_165 : i32
        %parallel_loop3A_188 = arith.constant 7 : i32
        %parallel_loop3A_189 = arith.muli %parallel_loop3A_188, %parallel_loop3A_187 : i32
        %parallel_loop3A_190 = arith.subi %parallel_loop3A_161, %parallel_loop3A_189 : i32
        %parallel_loop3A_191 = arith.constant 16 : i32
        %parallel_loop3A_192 = arith.muli %parallel_loop3A_163, %parallel_loop3A_191 : i32
        %parallel_loop3A_193 = arith.index_cast %parallel_loop3A_187 : i32 to index
        %parallel_loop3A_194 = arith.index_cast %add3A_106 : i32 to index
        %parallel_loop3A_195 = arith.index_cast %parallel_loop3A_190 : i32 to index
        %parallel_loop3A_196 = arith.index_cast %parallel_loop3A_192 : i32 to index
        %parallel_loop3A_197 = tpu.vector_load %arg5[%parallel_loop3A_193, %parallel_loop3A_194, %parallel_loop3A_195, %parallel_loop3A_196] {strides = array<i32>} : memref<7x3x7x256xi32, #tpu.memory_space<vmem>>, vector<1x1x1x16xi32>,
        %parallel_loop3A_198 = vector.shape_cast %parallel_loop3A_197 : vector<1x1x1x16xi32> to vector<16xi32>
        %parallel_loop3A_199 = vector.broadcast %sub3A_112 : i32 to vector<16xi32>
        %parallel_loop3A_200 = arith.cmpi eq, %parallel_loop3A_198, %parallel_loop3A_199 : vector<16xi32>
        %parallel_loop3A_201 = arith.constant 1.000000e+00 : f32
        %parallel_loop3A_202 = arith.constant 0.000000e+00 : f32
        %parallel_loop3A_203 = vector.broadcast %parallel_loop3A_201 : f32 to vector<16xf32>
        %parallel_loop3A_204 = vector.broadcast %parallel_loop3A_202 : f32 to vector<16xf32>
        %parallel_loop3A_205 = arith.select %parallel_loop3A_200, %parallel_loop3A_203, %parallel_loop3A_204 : vector<16xi1>, vector<16xf32>
        %parallel_loop3A_206 = arith.constant 16 : i32
        %parallel_loop3A_207 = arith.muli %parallel_loop3A_163, %parallel_loop3A_206 : i32
        %parallel_loop3A_208 = arith.index_cast %parallel_loop3A_187 : i32 to index
        %parallel_loop3A_209 = arith.index_cast %parallel_loop3A_190 : i32 to index
        %parallel_loop3A_210 = arith.index_cast %parallel_loop3A_207 : i32 to index
        %parallel_loop3A_211 = tpu.vector_load %arg6[%parallel_loop3A_208, %parallel_loop3A_209, %parallel_loop3A_210] {strides = array<i32>} : memref<7x7x256xf32, #tpu.memory_space<vmem>>, vector<1x1x16xf32>,
        %parallel_loop3A_212 = vector.shape_cast %parallel_loop3A_211 : vector<1x1x16xf32> to vector<16xf32>
        %parallel_loop3A_213 = vector.shape_cast %parallel_loop3A_205 : vector<16xf32> to vector<1x1x16xf32>
        tpu.vector_store %arg6[%parallel_loop3A_208, %parallel_loop3A_209, %parallel_loop3A_210], %parallel_loop3A_213 {strides = array<i32>} : memref<7x7x256xf32, #tpu.memory_space<vmem>>, vector<1x1x16xf32>,
      } {sc.loop_unroll_factor = 16 : i64, sc.parallel_access}
      %dma_start3A_115 = arith.constant 0 : i32
      %dma_start3A_116 = arith.constant 0 : i32
      %dma_start3A_117 = tpu.memref_slice %arg3[%add3A_93, %dma_start3A_115, %dma_start3A_116, %mul3A_50] : memref<20x7x7x16384xf32, #tpu.memory_space<hbm>> -> memref<1x7x7x256xf32, #tpu.memory_space<hbm>>
      %dma_start3A_118 = tpu.memref_squeeze %dma_start3A_117 : memref<1x7x7x256xf32, #tpu.memory_space<hbm>> -> memref<7x7x256xf32, #tpu.memory_space<hbm>>
      %dma_start3A_119 = arith.constant 0 : i32
      %dma_start3A_120 = arith.constant 0 : i32
      %dma_start3A_121 = tpu.memref_slice %arg3[%add3A_93, %dma_start3A_119, %dma_start3A_120, %mul3A_50] : memref<20x7x7x16384xf32, #tpu.memory_space<hbm>> -> memref<1x7x7x256xf32, #tpu.memory_space<hbm>>
      %dma_start3A_122 = tpu.memref_squeeze %dma_start3A_121 : memref<1x7x7x256xf32, #tpu.memory_space<hbm>> -> memref<7x7x256xf32, #tpu.memory_space<hbm>>
      tpu.enqueue_dma source(%arg6 : memref<7x7x256xf32, #tpu.memory_space<vmem>>) target(%dma_start3A_122 : memref<7x7x256xf32, #tpu.memory_space<hbm>>) target_semaphore(%arg10 : memref<!tpu.dma_semaphore, #tpu.memory_space<semaphore_mem>>)
      %mul3A_123 = arith.constant 2 : i32
      %mul3A_124 = arith.muli %mul3A_123, %scan3A_89 : i32
      %add3A_125 = arith.constant 1 : i32
      %add3A_126 = arith.addi %mul3A_124, %add3A_125 : i32
      %dma_wait3A_127 = arith.constant 0 : i32
      %dma_wait3A_128 = arith.constant 0 : i32
      %dma_wait3A_129 = tpu.memref_slice %arg3[%add3A_126, %dma_wait3A_127, %dma_wait3A_128, %mul3A_50] : memref<20x7x7x16384xf32, #tpu.memory_space<hbm>> -> memref<1x7x7x256xf32, #tpu.memory_space<hbm>>
      %dma_wait3A_130 = tpu.memref_squeeze %dma_wait3A_129 : memref<1x7x7x256xf32, #tpu.memory_space<hbm>> -> memref<7x7x256xf32, #tpu.memory_space<hbm>>
      %dma_wait3A_131 = arith.constant 0 : i32
      %dma_wait3A_132 = arith.constant 0 : i32
      %dma_wait3A_133 = tpu.memref_slice %arg3[%add3A_126, %dma_wait3A_131, %dma_wait3A_132, %mul3A_50] : memref<20x7x7x16384xf32, #tpu.memory_space<hbm>> -> memref<1x7x7x256xf32, #tpu.memory_space<hbm>>
      %dma_wait3A_134 = tpu.memref_squeeze %dma_wait3A_133 : memref<1x7x7x256xf32, #tpu.memory_space<hbm>> -> memref<7x7x256xf32, #tpu.memory_space<hbm>>
      tpu.wait_dma2 semaphore(%arg11 : memref<!tpu.dma_semaphore, #tpu.memory_space<semaphore_mem>>) src(%arg7 : memref<7x7x256xf32, #tpu.memory_space<vmem>>) dst(%dma_wait3A_134 : memref<7x7x256xf32, #tpu.memory_space<hbm>>)
      %ge3A_135 = arith.constant 11 : i32
      %ge3A_136 = arith.cmpi sge, %add3A_126, %ge3A_135 : i32
      %convert_element_type3A_137 = arith.extui %ge3A_136 : i1 to i32
      %ge3A_138 = arith.constant 17 : i32
      %ge3A_139 = arith.cmpi sge, %add3A_126, %ge3A_138 : i32
      %convert_element_type3A_140 = arith.extui %ge3A_139 : i1 to i32
      %add3A_141 = arith.addi %convert_element_type3A_137, %convert_element_type3A_140 : i32
      %mul3A_142 = arith.constant 11 : i32
      %mul3A_143 = arith.muli %mul3A_142, %convert_element_type3A_137 : i32
      %sub3A_144 = arith.subi %add3A_126, %mul3A_143 : i32
      %mul3A_145 = arith.constant 6 : i32
      %mul3A_146 = arith.muli %mul3A_145, %convert_element_type3A_140 : i32
      %sub3A_147 = arith.subi %sub3A_144, %mul3A_146 : i32
      %parallel_loop3A_148 = arith.constant 0 : i32
      %parallel_loop3A_149 = arith.constant 784 : i32
      %parallel_loop3A_150 = arith.constant 1 : i32
      scf.for %parallel_loop3A_159 = %parallel_loop3A_148 to %parallel_loop3A_149 step %parallel_loop3A_150  : i32 {
        %parallel_loop3A_160 = arith.constant 4 : i32
        %parallel_loop3A_161 = arith.shrui %parallel_loop3A_159, %parallel_loop3A_160 : i32
        %parallel_loop3A_162 = arith.constant 15 : i32
        %parallel_loop3A_163 = arith.andi %parallel_loop3A_159, %parallel_loop3A_162 : i32
        %parallel_loop3A_164 = arith.constant 7 : i32
        %parallel_loop3A_165 = arith.divsi %parallel_loop3A_161, %parallel_loop3A_164 : i32
        %parallel_loop3A_166 = arith.constant 0 : i32
        %parallel_loop3A_167 = arith.cmpi sgt, %parallel_loop3A_161, %parallel_loop3A_166 : i32
        %parallel_loop3A_168 = arith.extui %parallel_loop3A_167 : i1 to i32
        %parallel_loop3A_169 = arith.constant 0 : i32
        %parallel_loop3A_170 = arith.cmpi slt, %parallel_loop3A_161, %parallel_loop3A_169 : i32
        %parallel_loop3A_171 = arith.extui %parallel_loop3A_170 : i1 to i32
        %parallel_loop3A_172 = arith.subi %parallel_loop3A_168, %parallel_loop3A_171 : i32
        %parallel_loop3A_173 = arith.constant 0 : i32
        %parallel_loop3A_174 = arith.cmpi sgt, %parallel_loop3A_164, %parallel_loop3A_173 : i32
        %parallel_loop3A_175 = arith.extui %parallel_loop3A_174 : i1 to i32
        %parallel_loop3A_176 = arith.constant 0 : i32
        %parallel_loop3A_177 = arith.cmpi slt, %parallel_loop3A_164, %parallel_loop3A_176 : i32
        %parallel_loop3A_178 = arith.extui %parallel_loop3A_177 : i1 to i32
        %parallel_loop3A_179 = arith.subi %parallel_loop3A_175, %parallel_loop3A_178 : i32
        %parallel_loop3A_180 = arith.cmpi ne, %parallel_loop3A_172, %parallel_loop3A_179 : i32
        %parallel_loop3A_181 = arith.remsi %parallel_loop3A_161, %parallel_loop3A_164 : i32
        %parallel_loop3A_182 = arith.constant 0 : i32
        %parallel_loop3A_183 = arith.cmpi ne, %parallel_loop3A_181, %parallel_loop3A_182 : i32
        %parallel_loop3A_184 = arith.andi %parallel_loop3A_180, %parallel_loop3A_183 : i1
        %parallel_loop3A_185 = arith.constant 1 : i32
        %parallel_loop3A_186 = arith.subi %parallel_loop3A_165, %parallel_loop3A_185 : i32
        %parallel_loop3A_187 = arith.select %parallel_loop3A_184, %parallel_loop3A_186, %parallel_loop3A_165 : i32
        %parallel_loop3A_188 = arith.constant 7 : i32
        %parallel_loop3A_189 = arith.muli %parallel_loop3A_188, %parallel_loop3A_187 : i32
        %parallel_loop3A_190 = arith.subi %parallel_loop3A_161, %parallel_loop3A_189 : i32
        %parallel_loop3A_191 = arith.constant 16 : i32
        %parallel_loop3A_192 = arith.muli %parallel_loop3A_163, %parallel_loop3A_191 : i32
        %parallel_loop3A_193 = arith.index_cast %parallel_loop3A_187 : i32 to index
        %parallel_loop3A_194 = arith.index_cast %add3A_141 : i32 to index
        %parallel_loop3A_195 = arith.index_cast %parallel_loop3A_190 : i32 to index
        %parallel_loop3A_196 = arith.index_cast %parallel_loop3A_192 : i32 to index
        %parallel_loop3A_197 = tpu.vector_load %arg5[%parallel_loop3A_193, %parallel_loop3A_194, %parallel_loop3A_195, %parallel_loop3A_196] {strides = array<i32>} : memref<7x3x7x256xi32, #tpu.memory_space<vmem>>, vector<1x1x1x16xi32>,
        %parallel_loop3A_198 = vector.shape_cast %parallel_loop3A_197 : vector<1x1x1x16xi32> to vector<16xi32>
        %parallel_loop3A_199 = vector.broadcast %sub3A_147 : i32 to vector<16xi32>
        %parallel_loop3A_200 = arith.cmpi eq, %parallel_loop3A_198, %parallel_loop3A_199 : vector<16xi32>
        %parallel_loop3A_201 = arith.constant 1.000000e+00 : f32
        %parallel_loop3A_202 = arith.constant 0.000000e+00 : f32
        %parallel_loop3A_203 = vector.broadcast %parallel_loop3A_201 : f32 to vector<16xf32>
        %parallel_loop3A_204 = vector.broadcast %parallel_loop3A_202 : f32 to vector<16xf32>
        %parallel_loop3A_205 = arith.select %parallel_loop3A_200, %parallel_loop3A_203, %parallel_loop3A_204 : vector<16xi1>, vector<16xf32>
        %parallel_loop3A_206 = arith.constant 16 : i32
        %parallel_loop3A_207 = arith.muli %parallel_loop3A_163, %parallel_loop3A_206 : i32
        %parallel_loop3A_208 = arith.index_cast %parallel_loop3A_187 : i32 to index
        %parallel_loop3A_209 = arith.index_cast %parallel_loop3A_190 : i32 to index
        %parallel_loop3A_210 = arith.index_cast %parallel_loop3A_207 : i32 to index
        %parallel_loop3A_211 = tpu.vector_load %arg7[%parallel_loop3A_208, %parallel_loop3A_209, %parallel_loop3A_210] {strides = array<i32>} : memref<7x7x256xf32, #tpu.memory_space<vmem>>, vector<1x1x16xf32>,
        %parallel_loop3A_212 = vector.shape_cast %parallel_loop3A_211 : vector<1x1x16xf32> to vector<16xf32>
        %parallel_loop3A_213 = vector.shape_cast %parallel_loop3A_205 : vector<16xf32> to vector<1x1x16xf32>
        tpu.vector_store %arg7[%parallel_loop3A_208, %parallel_loop3A_209, %parallel_loop3A_210], %parallel_loop3A_213 {strides = array<i32>} : memref<7x7x256xf32, #tpu.memory_space<vmem>>, vector<1x1x16xf32>,
      } {sc.loop_unroll_factor = 16 : i64, sc.parallel_access}
      %dma_start3A_151 = arith.constant 0 : i32
      %dma_start3A_152 = arith.constant 0 : i32
      %dma_start3A_153 = tpu.memref_slice %arg3[%add3A_126, %dma_start3A_151, %dma_start3A_152, %mul3A_50] : memref<20x7x7x16384xf32, #tpu.memory_space<hbm>> -> memref<1x7x7x256xf32, #tpu.memory_space<hbm>>
      %dma_start3A_154 = tpu.memref_squeeze %dma_start3A_153 : memref<1x7x7x256xf32, #tpu.memory_space<hbm>> -> memref<7x7x256xf32, #tpu.memory_space<hbm>>
      %dma_start3A_155 = arith.constant 0 : i32
      %dma_start3A_156 = arith.constant 0 : i32
      %dma_start3A_157 = tpu.memref_slice %arg3[%add3A_126, %dma_start3A_155, %dma_start3A_156, %mul3A_50] : memref<20x7x7x16384xf32, #tpu.memory_space<hbm>> -> memref<1x7x7x256xf32, #tpu.memory_space<hbm>>
      %dma_start3A_158 = tpu.memref_squeeze %dma_start3A_157 : memref<1x7x7x256xf32, #tpu.memory_space<hbm>> -> memref<7x7x256xf32, #tpu.memory_space<hbm>>
      tpu.enqueue_dma source(%arg7 : memref<7x7x256xf32, #tpu.memory_space<vmem>>) target(%dma_start3A_158 : memref<7x7x256xf32, #tpu.memory_space<hbm>>) target_semaphore(%arg11 : memref<!tpu.dma_semaphore, #tpu.memory_space<semaphore_mem>>)
    }
    %scan3A_63 = arith.constant 10 : i32
    %mul3A_64 = arith.constant 2 : i32
    %mul3A_65 = arith.muli %add3A, %mul3A_64 : i32
    %add3A_66 = arith.constant 2 : i32
    %add3A_67 = arith.addi %mul3A_65, %add3A_66 : i32
    %sub3A = arith.constant 1 : i32
    %sub3A_68 = arith.subi %add3A_67, %sub3A : i32
    %mul3A_69 = arith.constant 256 : i32
    %mul3A_70 = arith.muli %sub3A_68, %mul3A_69 : i32
    %dma_wait3A_71 = arith.constant 18 : i32
    %dma_wait3A_72 = arith.constant 0 : i32
    %dma_wait3A_73 = arith.constant 0 : i32
    %dma_wait3A_74 = tpu.memref_slice %arg3[%dma_wait3A_71, %dma_wait3A_72, %dma_wait3A_73, %mul3A_70] : memref<20x7x7x16384xf32, #tpu.memory_space<hbm>> -> memref<1x7x7x256xf32, #tpu.memory_space<hbm>>
    %dma_wait3A_75 = tpu.memref_squeeze %dma_wait3A_74 : memref<1x7x7x256xf32, #tpu.memory_space<hbm>> -> memref<7x7x256xf32, #tpu.memory_space<hbm>>
    %dma_wait3A_76 = arith.constant 0 : i32
    %dma_wait3A_77 = arith.constant 0 : i32
    %dma_wait3A_78 = tpu.memref_slice %arg3[%dma_wait3A_71, %dma_wait3A_76, %dma_wait3A_77, %mul3A_70] : memref<20x7x7x16384xf32, #tpu.memory_space<hbm>> -> memref<1x7x7x256xf32, #tpu.memory_space<hbm>>
    %dma_wait3A_79 = tpu.memref_squeeze %dma_wait3A_78 : memref<1x7x7x256xf32, #tpu.memory_space<hbm>> -> memref<7x7x256xf32, #tpu.memory_space<hbm>>
    tpu.wait_dma2 semaphore(%arg10 : memref<!tpu.dma_semaphore, #tpu.memory_space<semaphore_mem>>) src(%arg6 : memref<7x7x256xf32, #tpu.memory_space<vmem>>) dst(%dma_wait3A_79 : memref<7x7x256xf32, #tpu.memory_space<hbm>>)
    %dma_wait3A_80 = arith.constant 19 : i32
    %dma_wait3A_81 = arith.constant 0 : i32
    %dma_wait3A_82 = arith.constant 0 : i32
    %dma_wait3A_83 = tpu.memref_slice %arg3[%dma_wait3A_80, %dma_wait3A_81, %dma_wait3A_82, %mul3A_70] : memref<20x7x7x16384xf32, #tpu.memory_space<hbm>> -> memref<1x7x7x256xf32, #tpu.memory_space<hbm>>
    %dma_wait3A_84 = tpu.memref_squeeze %dma_wait3A_83 : memref<1x7x7x256xf32, #tpu.memory_space<hbm>> -> memref<7x7x256xf32, #tpu.memory_space<hbm>>
    %dma_wait3A_85 = arith.constant 0 : i32
    %dma_wait3A_86 = arith.constant 0 : i32
    %dma_wait3A_87 = tpu.memref_slice %arg3[%dma_wait3A_80, %dma_wait3A_85, %dma_wait3A_86, %mul3A_70] : memref<20x7x7x16384xf32, #tpu.memory_space<hbm>> -> memref<1x7x7x256xf32, #tpu.memory_space<hbm>>
    %dma_wait3A_88 = tpu.memref_squeeze %dma_wait3A_87 : memref<1x7x7x256xf32, #tpu.memory_space<hbm>> -> memref<7x7x256xf32, #tpu.memory_space<hbm>>
    tpu.wait_dma2 semaphore(%arg11 : memref<!tpu.dma_semaphore, #tpu.memory_space<semaphore_mem>>) src(%arg7 : memref<7x7x256xf32, #tpu.memory_space<vmem>>) dst(%dma_wait3A_88 : memref<7x7x256xf32, #tpu.memory_space<hbm>>)
    return
  }
}

</mosaic_0001>

<sc_bundles>
// kernel: kernel.3.cloned.1.call-start
scs
__scs_entry_jumppad:
0x0: {  	(pc) =	sbr.rel $0x88, $3  }
0x1: {  	(tag) =	ssettag $0x0;
	lr =	simm.s32 $0x1  }
0x2: {  	[smem:$0x3FA0] =	sst lr;
	_ =	strace $0xD0000000  }
0x3: {  	_ = 	snop  }
0x4: {  	_ = 	snop  }
0x5: {  	_ = 	snop  }
0x6: {  	_ = 	snop  }
0x7: {  	_ = 	snop  }
__scs_overlays_trampoline_lowered:
0x8: {  	[smem:$0x3FAF] =	sst s0  }
0x9: {  	[smem:$0x3FB0] =	sst s1  }
0xa: {  	[smem:$0x3FB1] =	sst s2  }
0xb: {  	[smem:$0x3FB2] =	sst s3  }
0xc: {  	[smem:$0x3FB3] =	sst s4  }
0xd: {  	[smem:$0x3FB4] =	sst s5  }
0xe: {  	[smem:$0x3FB5] =	sst s6  }
0xf: {  	[smem:$0x3FB6] =	sst s7  }
0x10: {  	[smem:$0x3FB7] =	sst s8  }
0x11: {  	[smem:$0x3FB8] =	sst s9;
	s0 =	simm.s32 @!p0 $0x0  }
0x12: {  	s1 =	sld [smem:$0x3F9E];
	s0 =	simm.s32 @p0 $0x1  }
0x13: {  	[smem:$0x3FB9] =	sst s0;
	s0 =	simm.s32 @!p1 $0x0  }
0x14: {  	s2 =	sld [smem:$0x3F9D];
	s0 =	simm.s32 @p1 $0x1  }
0x15: {  	[smem:$0x3FBA] =	sst s0;
	s0 =	simm.s32 @!p2 $0x0  }
0x16: {  	s3 =	sld [smem:$0x3FDB];
	s0 =	simm.s32 @p2 $0x1  }
0x17: {  	s4 =	simm.s32 $0x1BF5;
	[smem:$0x3FBC] =	sst s0  }
0x18: {  	s0 =	sld [smem:$0x3F9F];
	_ =	swait.ge [sflag:s4], $0x0  }
0x19: {  	s7 =	sld [smem:$0x3FA0]  }
0x1a: {  	s8 =	sadd.s32 $0xFFFFE003, lr  }
0x1b: {  	s9 =	sadd.s32 $0xFFFFFEF7, lr;
	s5 =	simm.s32 $0xFFFFFFFF;
	p2 =	slt.u32 s8, $0xFFFFF086  }
0x1c: {  	p1 =	slt.u32 s9, $0xF7A;
	s5 =	simm.s32 @!p2 $0x0  }
0x1d: {  	s5 =	simm.s32 @p1 $0x1;
	p0 =	seq.s32 s7, s2  }
0x1e: {  	s7 =	smul.u32 @!p0 $0xF7A, s2;
	p2 =	seq.s32 @!p0 s5, $0x0  }
0x1f: {  	s9 =	smul.u32 $0xF7A, s1;
	s8 =	simm.s32 @!p0 $0x1BF5;
	p2 =	por !p2, p0  }
0x20: {  	[sflag:s8] =	ssyncset.s32 @!p0 $0xFFFFF086;
	s6 =	sadd.s32 @!p0 s3, s7;
	s7 =	simm.s32 @!p0 $0x108  }
0x21: {  	s3 =	sadd.s32 s3, s9;
	s6 =	sadd.s32 @!p0 $0x88, s6;
	s7 =	simm.s32 @p2 $0x1082  }
0x22: {  	[simem:s7], [sflag:s8] =	dma.local @!p0 [hbm:s6], $0xF7A  }
0x23: {  	s9 =	sor.u32 $0xD0000000, s2;
	s6 =	simm.s32 $0x108;
	_ =	swait.ge @!p0 [sflag:s8], $0x0  }
0x24: {  	s3 =	sadd.s32 $0x88, s3;
	s6 =	simm.s32 @!p1 $0x1082;
	[sflag:s4] =	ssyncset.s32 $0xFFFFF086  }
0x25: {  	[simem:s6], [sflag:s4] =	dma.local [hbm:s3], $0xF7A  }
0x26: {  	[smem:$0x3FA0] =	sst s1;
	(tag) =	ssettag s2;
	_ =	strace s9  }
0x27: {  	s1 =	sld [smem:$0x3FB0]  }
0x28: {  	s2 =	sld [smem:$0x3FB1]  }
0x29: {  	s4 =	sld [smem:$0x3FB3]  }
0x2a: {  	p0 =	seq.s32 s5, $0x0;
	s5 =	sld [smem:$0x3FB4]  }
0x2b: {  	s6 =	sld [smem:$0x3FB5]  }
0x2c: {  	s7 =	sld [smem:$0x3FB6]  }
0x2d: {  	s3 =	simm.s32 $0x108;
	s8 =	sld [smem:$0x3FB7]  }
0x2e: {  	s3 =	simm.s32 @!p0 $0x1082;
	s9 =	sld [smem:$0x3FB8]  }
0x2f: {  	lr =	sadd.s32 s0, s3;
	s0 =	sld [smem:$0x3FAF]  }
0x30: {  	s3 =	sld [smem:$0x3FB2]  }
0x31: {  	[smem:$0x3FBB] =	sst s10  }
0x32: {  	s10 =	sld [smem:$0x3FB9];
	_ =	sdelay $0x3  }
0x33: {  	p0 =	seq.s32 s10, $0x1;
	s10 =	sld [smem:$0x3FBB];
	_ =	sdelay $0x3  }
0x34: {  	[smem:$0x3FBB] =	sst s10  }
0x35: {  	s10 =	sld [smem:$0x3FBA];
	_ =	sdelay $0x3  }
0x36: {  	p1 =	seq.s32 s10, $0x1;
	s10 =	sld [smem:$0x3FBB];
	_ =	sdelay $0x3  }
0x37: {  	[smem:$0x3FBB] =	sst s10  }
0x38: {  	s10 =	sld [smem:$0x3FBC]  }
0x39: {  	_ = 	snop;
	(pc) =	sbr.ind lr, $3  }
0x3a: {  	_ = 	snop  }
0x3b: {  	_ = 	snop  }
0x3c: {  	p2 =	seq.s32 s10, $0x1;
	s10 =	sld [smem:$0x3FBB]  }
0x3d: {  	_ =	shalt  }
0x3e: {  	_ =	shalt  }
0x3f: {  	_ =	shalt  }
0x40: {  	_ =	shalt  }
0x41: {  	_ =	shalt  }
0x42: {  	_ =	shalt  }
0x43: {  	_ =	shalt  }
0x44: {  	_ =	shalt  }
0x45: {  	_ =	shalt  }
0x46: {  	_ =	shalt  }
0x47: {  	_ =	shalt  }
0x48: {  	_ =	shalt  }
0x49: {  	_ =	shalt  }
0x4a: {  	_ =	shalt  }
0x4b: {  	_ =	shalt  }
0x4c: {  	_ =	shalt  }
0x4d: {  	_ =	shalt  }
0x4e: {  	_ =	shalt  }
0x4f: {  	_ =	shalt  }
0x50: {  	_ =	shalt  }
0x51: {  	_ =	shalt  }
0x52: {  	_ =	shalt  }
0x53: {  	_ =	shalt  }
0x54: {  	_ =	shalt  }
0x55: {  	_ =	shalt  }
0x56: {  	_ =	shalt  }
0x57: {  	_ =	shalt  }
0x58: {  	_ =	shalt  }
0x59: {  	_ =	shalt  }
0x5a: {  	_ =	shalt  }
0x5b: {  	_ =	shalt  }
0x5c: {  	_ =	shalt  }
0x5d: {  	_ =	shalt  }
0x5e: {  	_ =	shalt  }
0x5f: {  	_ =	shalt  }
0x60: {  	_ =	shalt  }
0x61: {  	_ =	shalt  }
0x62: {  	_ =	shalt  }
0x63: {  	_ =	shalt  }
0x64: {  	_ =	shalt  }
0x65: {  	_ =	shalt  }
0x66: {  	_ =	shalt  }
0x67: {  	_ =	shalt  }
0x68: {  	_ =	shalt  }
0x69: {  	_ =	shalt  }
0x6a: {  	_ =	shalt  }
0x6b: {  	_ =	shalt  }
0x6c: {  	_ =	shalt  }
0x6d: {  	_ =	shalt  }
0x6e: {  	_ =	shalt  }
0x6f: {  	_ =	shalt  }
0x70: {  	_ =	shalt  }
0x71: {  	_ =	shalt  }
0x72: {  	_ =	shalt  }
0x73: {  	_ =	shalt  }
0x74: {  	_ =	shalt  }
0x75: {  	_ =	shalt  }
0x76: {  	_ =	shalt  }
0x77: {  	_ =	shalt  }
0x78: {  	_ =	shalt  }
0x79: {  	_ =	shalt  }
0x7a: {  	_ =	shalt  }
0x7b: {  	_ =	shalt  }
0x7c: {  	_ =	shalt  }
0x7d: {  	_ =	shalt  }
0x7e: {  	_ =	shalt  }
0x7f: {  	_ =	shalt  }
0x80: {  	_ =	shalt  }
0x81: {  	_ =	shalt  }
0x82: {  	_ =	shalt  }
0x83: {  	_ =	shalt  }
0x84: {  	_ =	shalt  }
0x85: {  	_ =	shalt  }
0x86: {  	_ =	shalt  }
0x87: {  	_ =	shalt  }
.Lfunc_end0:
.L_simem_size_0:
called_computation_lowered:
.L_overlay_start_0:
0x88: {  	s2 =	sld [smem:$0x3FD9]  }
0x89: {  	s3 =	sld [smem:$0x3FFE];
	_ =	sdelay $0x1  }
0x8a: {  	s1 =	srdreg.scid  }
0x8b: {  	s0 =	sand.u32 $0x1, s1  }
0x8c: {  	s18 =	sshll.u32 s0, $0xA;
	s2 =	sadd.s32 s3, s2  }
0x8d: {  	s2 =	sadd.s32 s2, s18  }
0x8e: {  	[smem:$0x3FC7] =	sst s2  }
0x8f: {  	_ = 	snop  }
0x90: {  	s2 =	sld [smem:$0x3FC9]  }
0x91: {  	s19 =	sld [smem:$0x3FD0];
	(tm) =	ssettm $0x1  }
0x92: {  	s4 =	sld [smem:$0x3FFB];
	_ =	sdelay $0x3  }
0x93: {  	_ =	strace s4  }
0x94: {  	s4 =	sld [smem:$0x3FFC];
	_ =	sdelay $0x3  }
0x95: {  	_ =	strace s4  }
0x96: {  	s4 =	sld [smem:$0x3FFD];
	_ =	sdelay $0x3  }
0x97: {  	_ =	strace s4  }
0x98: {  	_ =	strace $0x8FFFFFFF  }
0x99: {  	s20 =	sld [smem:$0x3FDB];
	_ =	sdelay $0x1  }
0x9a: {  	s5 =	simm.s32 $_scs_section_size  }
0x9b: {  	s6 =	simm.s32 $_size__tile_overlayer_lowered;
	s7 =	simm.s32 $_tile_overlayer_lowered  }
0x9c: {  	s23 =	simm.s32 $0x1BFF;
	s22 =	sshll.u32 s7, $0x1;
	s4 =	sadd.s32 s5, s20  }
0x9d: {  	s8 =	simm.s32 $0x0;
	s21 =	sshll.u32 s6, $0x1;
	s6 =	sadd.s32 s22, s4  }
0x9e: {  	[timem:s8], [sflag:s23] =	dma.local [hbm:s6], s21  }
0x9f: {  	_ =	swait.ge [sflag:s23], s21  }
0xa0: {  	s5 =	ssub.s32 $0x0, s21;
	[sflag:s23] =	ssyncset.done $0x0  }
0xa1: {  	[sflag:s23] =	ssyncadd.s32 s5;
	_ =	sdelay $0x1  }
0xa2: {  	s24 =	simm.s32 $0x1B8B  }
0xa3: {  	_ =	swait.ge [sflag:s24], $0x1  }
0xa4: {  	[sflag:s24] =	ssyncset.done $0x0  }
0xa5: {  	s25 =	simm.s32 $0x1B8E;
	[sflag:s24] =	ssyncadd.s32 $0xFFFFFFFF  }
0xa6: {  	s26 =	simm.s32 $execute0_lowered;
	[smem:$0x3FD2] =	sst s25  }
0xa7: {  	s5 =	sshll.u32 s26, $0x1;
	_ =	strace $0x80000046;
	[dreg:$0x1] =	wrdreg $0xFFFFFFFF  }
0xa8: {  	s28 =	simm.s32 $_size_execute0_lowered;
	s4 =	sadd.s32 s4, s5;
	[dreg:$0x0] =	wrdreg $0x0  }
0xa9: {  	s5 =	sshll.u32 s28, $0x1;
	[dreg:$0x2] =	wrdreg s4  }
0xaa: {  	[dreg:$0x3] =	wrdreg s5  }
0xab: {  	[dreg:$0x4] =	wrdreg $0xC0  }
0xac: {  	_ =	task [dreg:s8], $0x5FFFF  }
0xad: {  	[dreg:$0x1] =	wrdreg $0xFFFFFFFF  }
0xae: {  	[dreg:$0x0] =	wrdreg $0x60  }
0xaf: {  	[dreg:$0x2] =	wrdreg s2  }
0xb0: {  	[dreg:$0x3] =	wrdreg s19  }
0xb1: {  	[dreg:$0x4] =	wrdreg $0x9  }
0xb2: {  	_ =	task.clear_ibuf [dreg:s8], $0x5FFFF;
	_ =	strace $0x90000046  }
0xb3: {  	s29 =	simm.s32 $0x9;
	_ =	strace $0x80000048  }
0xb4: {  	_ =	swait.ge [sflag:s29], $0x1  }
0xb5: {  	[sflag:s29] =	ssyncadd.s32 $0xFFFFFFFF  }
0xb6: {  	_ =	strace $0x90000048  }
0xb7: {  	_ =	sfence  }
0xb8: {  	s30 =	sld [smem:$0x0];
	_ =	sdelay $0x2  }
0xb9: {  	s31 =	sshll.u32 s1, $0xD;
	s1 =	sshrl.u32 s1, $0x2  }
0xba: {  	s3 =	sand.u32 $0x4000, s31;
	s1 =	sadd.s32 s1, s30  }
0xbb: {  	s0 =	sor.u32 s3, s0;
	s1 =	sshll.u32 s1, $0x11  }
0xbc: {  	s0 =	sor.u32 s1, s0  }
0xbd: {  	s0 =	sadd.s32 $0x8F2B, s0  }
0xbe: {  	[sflag:s0] =	ssyncadd.remote.s32 $0x1  }
0xbf: {  	_ =	sfence.sel $0xFFFF  }
0xc0: {  	[dreg:$0x0] =	wrdreg $0xFFFFFFFF;
	(pc) =	sbr.abs _section_cstart, $3  }
0xc1: {  	[dreg:$0x1] =	wrdreg $0xFFFFFFFF  }
0xc2: {  	_ =	task.clear_ibuf [dreg:s8], $0x2FFFF;
	_ =	strace $0x9FFFFFFF  }
0xc3: {  	(tm) =	ssettm $0x7FFFFFFF  }
tec
execute0_lowered:
.L_overlay_start_1:
0x0: {  	(tag) =	ssettag $0x1  }
0x1: {  	s0 =	rddreg [dreg:$0x0]  }
0x2: {  	s2 =	rddreg [dreg:$0x1]  }
0x3: {  	s4 =	srdreg.scid;
	s1 =	stileid.u32;
	s3 =	simm.s32 $0x0  }
0x4: {  	s10 =	simm.s32 $0x20000;
	s12 =	simm.s32 $0x1;
	s13 =	simm.s32 $0x15000  }
0x5: {  	s14 =	simm.s32 $0x18800;
	s15 =	simm.s32 $0x2;
	s16 =	simm.s32 $0x3  }
0x6: {  	s17 =	simm.s32 $0x4;
	s4 =	sand.u32 $0x1, s4;
	s5 =	sshll.u32 s1, $0x1  }
0x7: {  	s18 =	simm.s32 $0x0;
	[smem:$0x7FF] =	sst s3;
	s5 =	sor.u32 s4, s5  }
0x8: {  	_ =	strace $0x80000047;
	s6 =	ssub.s32 $0x2, s4;
	s4 =	sshll.u32 s5, $0xC  }
0x9: {  	s7 =	sshrl.u32 s6, $0x1;
	s8 =	sshll.u32 s5, $0x9;
	s5 =	sor.u32 $0x800, s4  }
0xa: {  	s9 =	ssub.s32 s6, s7;
	s6 =	sadd.s32 s0, s8;
	s31 =	sshrl.u32 s5, $0x3  }
0xb: {  	v0 =	vimm.f32 $0.0e+00;
	s8 =	smax.u32 s9, $0x1;
	s9 =	simm.s32 $0x800;
	s7 =	sadd.s32 s0, s31  }
.LBB2_1:
0xc: {  	[tilespmem:s3], [sflag:$0x1] =	stream.strided.gather [hbm4b:s6+s9], $0xA800, s10, s9, $0x38;
	[tilespmem:$0x1C000] =	vst v63  }
0xd: {  	s0 =	simm.s32 $0xA800  }
0xe: {  	[tilespmem:s0], [sflag:$0x2] =	stream.strided.gather [hbm4b:s7+s9], $0xA800, s10, s9, $0x38;
	[tilespmem:$0x1C000] =	vst v63  }
0xf: {  	_ =	swait.ge [sflag:s12], $0xA800  }
0x10: {  	[sflag:s12] =	ssyncset.done $0x0  }
0x11: {  	s19 =	simm.s32 $0x0;
	[sflag:s12] =	ssyncadd.s32 $0xFFFF5800  }
.LBB2_2:
0x12: {  	s0 =	simm.s32 $0x0  }
0x13: {  	s20 =	simm.s32 $0x0;
	s0 =	sand.u32 $0xFFF0, s0  }
0x14: {  	p0 =	seq.s32 s19, $0x0;
	s20 =	smulhi.u32 $0x24924925, s20;
	s0 =	sshrl.u32 s0, $0x4  }
0x15: {  	p1 =	sgt.u32 s19, $0x5;
	s21 =	simm.s32 $0x1;
	s0 =	smul.u32 $0x2493, s0  }
0x16: {  	p2 =	seq.s32 s19, $0x9;
	s22 =	simm.s32 $0x1;
	s21 =	simm.s32 @!p1 $0x0  }
0x17: {  	s22 =	simm.s32 @!p2 $0x0;
	s23 =	smul.u32 $0x700, s20;
	s0 =	sshrl.u32 s0, $0x10  }
0x18: {  	s24 =	simm.s32 @!p0 $0x3;
	s21 =	sadd.s32 s22, s21;
	s11 =	smul.u32 $0x6000, s0  }
0x19: {  	_ =	swait.ge @!p0 [sflag:s24], $0x3800;
	s21 =	sshll.u32 s21, $0xB  }
0x1a: {  	s20 =	sshll.u32 s20, $0x7;
	s23 =	ssub.s32 $0x0, s23;
	s22 =	sshrl.u32 s11, $0x2  }
0x1b: {  	s20 =	sadd.s32 $0x0, s20;
	s26 =	sand.u32 $0xFFFFF800, s23;
	s22 =	sadd.s32 s22, s21  }
0x1c: {  	[sflag:s24] =	ssyncset.done @!p0 $0x0;
	s28 =	sand.u32 $0x380, s20;
	s25 =	sadd.s32 s26, s22  }
0x1d: {  	[sflag:s24] =	ssyncadd.s32 @!p0 $0xFFFFC800;
	s25 =	sadd.s32 s28, s25  }
0x1e: {  	s22 =	simm.s32 $0xFFFFFFF5;
	v2 =	vld [tilespmem:s25+$0x470]  }
0x1f: {  	s20 =	sshll.u32 s19, $0x1;
	s23 =	simm.s32 $0xFFFFFFFA;
	s22 =	simm.s32 @!p1 $0x0;
	v3 =	vld [tilespmem:s25+$0x0]  }
0x20: {  	s23 =	simm.s32 @!p2 $0x0;
	s22 =	sadd.s32 s20, s22;
	v4 =	vld [tilespmem:s25+$0x10]  }
0x21: {  	s0 =	sshll.u32 s0, $0xB;
	v5 =	vld [tilespmem:s25+$0x20];
	s22 =	sadd.s32 s23, s22  }
0x22: {  	s0 =	sadd.s32 s26, s0;
	v6 =	vld [tilespmem:s25+$0x30];
	s23 =	simm.s32 $0x10;
	v1 =	vmov s22  }
0x23: {  	s0 =	sor.u32 s28, s0;
	s26 =	simm.s32 $0x1;
	v7 =	vld [tilespmem:s25+$0x40];
	s31 =	sand.u32 $0xFFF0, s23;
	vm0 =	veq.s32 v2, v1  }
0x24: {  	s1 =	smulhi.u32 $0x24924925, s26;
	s22 =	sadd.s32 $0x15000, s0;
	s24 =	sshrl.u32 s31, $0x4;
	vm1 =	veq.s32 v3, v1;
	v2 =	vld [tilespmem:s25+$0x50];
	v3 =	vsel vm0, $0x3F800000, v0  }
0x25: {  	s24 =	smul.u32 $0x2493, s24;
	v8 =	vsel vm1, $0x3F800000, v0;
	vm0 =	veq.s32 v4, v1;
	v4 =	vld [tilespmem:s25+$0x60];
	[tilespmem:s22+$0x470] =	vst v3  }
0x26: {  	[tilespmem:s0+$0x15000] =	vst v8;
	v3 =	vsel vm0, $0x3F800000, v0;
	vm0 =	veq.s32 v5, v1;
	v5 =	vld [tilespmem:s25+$0x70]  }
0x27: {  	s11 =	smul.u32 $0x700, s1;
	s31 =	sshrl.u32 s24, $0x10;
	[tilespmem:s22+$0x10] =	vst v3;
	v3 =	vsel vm0, $0x3F800000, v0;
	vm0 =	veq.s32 v6, v1;
	v6 =	vld [tilespmem:s25+$0x400]  }
0x28: {  	s24 =	smul.u32 $0x6000, s31;
	[tilespmem:s22+$0x20] =	vst v3;
	v3 =	vsel vm0, $0x3F800000, v0;
	vm0 =	veq.s32 v7, v1;
	v7 =	vld [tilespmem:s25+$0x410]  }
0x29: {  	[tilespmem:s22+$0x30] =	vst v3;
	v3 =	vsel vm0, $0x3F800000, v0;
	vm0 =	veq.s32 v2, v1;
	v2 =	vld [tilespmem:s25+$0x420]  }
0x2a: {  	s26 =	sshll.u32 s1, $0x7;
	s0 =	ssub.s32 $0x100, s11;
	v8 =	vld [tilespmem:s25+$0x430];
	s24 =	sshrl.u32 s24, $0x2;
	[tilespmem:s22+$0x40] =	vst v3;
	v3 =	vsel vm0, $0x3F800000, v0;
	vm0 =	veq.s32 v4, v1  }
0x2b: {  	v9 =	vld [tilespmem:s25+$0x440];
	s26 =	sadd.s32 $0x80, s26;
	s30 =	sand.u32 $0xFFFFF800, s0;
	s24 =	sadd.s32 s24, s21;
	[tilespmem:s22+$0x50] =	vst v3;
	v3 =	vsel vm0, $0x3F800000, v0;
	vm0 =	veq.s32 v5, v1  }
0x2c: {  	v10 =	vld [tilespmem:s25+$0x450];
	s29 =	sand.u32 $0x380, s26;
	s0 =	sadd.s32 s30, s24;
	[tilespmem:s22+$0x60] =	vst v3;
	v3 =	vsel vm0, $0x3F800000, v0;
	vm0 =	veq.s32 v6, v1  }
0x2d: {  	s24 =	sadd.s32 s29, s0;
	v6 =	vld [tilespmem:s25+$0x460];
	[tilespmem:s22+$0x70] =	vst v3;
	v3 =	vsel vm0, $0x3F800000, v0;
	vm0 =	veq.s32 v7, v1  }
0x2e: {  	v4 =	vld [tilespmem:s24+$0x470];
	[tilespmem:s22+$0x400] =	vst v3;
	v3 =	vsel vm0, $0x3F800000, v0;
	vm0 =	veq.s32 v2, v1  }
0x2f: {  	v5 =	vld [tilespmem:s24+$0x0];
	[tilespmem:s22+$0x410] =	vst v3;
	v3 =	vsel vm0, $0x3F800000, v0;
	vm0 =	veq.s32 v8, v1  }
0x30: {  	s28 =	simm.s32 $0x100;
	v2 =	vld [tilespmem:s24+$0x10];
	[tilespmem:s22+$0x420] =	vst v3;
	v7 =	vsel vm0, $0x3F800000, v0;
	vm0 =	veq.s32 v9, v1  }
0x31: {  	s26 =	simm.s32 $0x80;
	s0 =	sshll.u32 s31, $0xB;
	s25 =	simm.s32 $0x10;
	v3 =	vld [tilespmem:s24+$0x20];
	[tilespmem:s22+$0x430] =	vst v7;
	v7 =	vsel vm0, $0x3F800000, v0;
	vm0 =	veq.s32 v10, v1  }
.LBB2_3:
0x32: {  	s23 =	sadd.s32 $0x10, s23;
	s0 =	sadd.s32 s30, s0;
	v8 =	vld [tilespmem:s24+$0x30];
	s25 =	sadd.s32 $0x10, s25;
	[tilespmem:s22+$0x440] =	vst v7;
	v7 =	vsel vm0, $0x3F800000, v0;
	vm0 =	veq.s32 v6, v1  }
0x33: {  	s30 =	sshrl.u32 s25, $0x4;
	s31 =	sand.u32 $0xFFF0, s23;
	s0 =	sor.u32 s29, s0;
	v6 =	vld [tilespmem:s24+$0x40];
	vm1 =	veq.s32 v4, v1;
	[tilespmem:s22+$0x450] =	vst v7;
	v4 =	vsel vm0, $0x3F800000, v0  }
0x34: {  	s29 =	smulhi.u32 $0x24924925, s30;
	s30 =	sshrl.u32 s31, $0x4;
	vm0 =	veq.s32 v5, v1;
	v5 =	vld [tilespmem:s24+$0x50];
	v7 =	vsel vm1, $0x3F800000, v0;
	[tilespmem:s22+$0x460] =	vst v4;
	s22 =	sadd.s32 $0x15000, s0  }
0x35: {  	p1 =	slt.u32 s23, $0x300;
	s30 =	smul.u32 $0x2493, s30;
	v4 =	vsel vm0, $0x3F800000, v0;
	vm0 =	veq.s32 v2, v1;
	v2 =	vld [tilespmem:s24+$0x60];
	[tilespmem:s22+$0x470] =	vst v7  }
0x36: {  	[tilespmem:s0+$0x15000] =	vst v4;
	v4 =	vsel vm0, $0x3F800000, v0;
	vm0 =	veq.s32 v3, v1;
	v3 =	vld [tilespmem:s24+$0x70]  }
0x37: {  	s0 =	smul.u32 $0x700, s29;
	s31 =	sshrl.u32 s30, $0x10;
	[tilespmem:s22+$0x10] =	vst v4;
	v4 =	vsel vm0, $0x3F800000, v0;
	vm0 =	veq.s32 v8, v1;
	v7 =	vld [tilespmem:s24+$0x400]  }
0x38: {  	s30 =	smul.u32 $0x6000, s31;
	[tilespmem:s22+$0x20] =	vst v4;
	v4 =	vsel vm0, $0x3F800000, v0;
	vm0 =	veq.s32 v6, v1;
	v6 =	vld [tilespmem:s24+$0x410]  }
0x39: {  	s26 =	sadd.s32 $0x80, s26;
	s28 =	sadd.s32 $0x100, s28;
	[tilespmem:s22+$0x30] =	vst v4;
	v4 =	vsel vm0, $0x3F800000, v0;
	vm0 =	veq.s32 v5, v1;
	v5 =	vld [tilespmem:s24+$0x420]  }
0x3a: {  	s29 =	sshll.u32 s29, $0x7;
	s0 =	ssub.s32 s28, s0;
	s1 =	sshrl.u32 s30, $0x2;
	[tilespmem:s22+$0x40] =	vst v4;
	v4 =	vsel vm0, $0x3F800000, v0;
	vm0 =	veq.s32 v2, v1;
	v2 =	vld [tilespmem:s24+$0x430]  }
0x3b: {  	s29 =	sadd.s32 s29, s26;
	s30 =	sand.u32 $0xFFFFF800, s0;
	s0 =	sadd.s32 s1, s21;
	[tilespmem:s22+$0x50] =	vst v4;
	v4 =	vsel vm0, $0x3F800000, v0;
	vm0 =	veq.s32 v3, v1;
	v3 =	vld [tilespmem:s24+$0x440]  }
0x3c: {  	s29 =	sand.u32 $0x380, s29;
	s0 =	sadd.s32 s30, s0;
	[tilespmem:s22+$0x60] =	vst v4;
	v4 =	vsel vm0, $0x3F800000, v0;
	vm0 =	veq.s32 v7, v1;
	v8 =	vld [tilespmem:s24+$0x450]  }
.Ltmp0:
0x3d: {  	[tilespmem:s22+$0x70] =	vst v4;
	v7 =	vsel vm0, $0x3F800000, v0;
	vm0 =	veq.s32 v6, v1;
	v6 =	vld [tilespmem:s24+$0x460];
	s24 =	sadd.s32 s29, s0;
	(pc) =	sbr.rel @p1 .LBB2_3-.Ltmp0, $4  }
0x3e: {  	v4 =	vld [tilespmem:s24+$0x470];
	[tilespmem:s22+$0x400] =	vst v7;
	v7 =	vsel vm0, $0x3F800000, v0;
	vm0 =	veq.s32 v5, v1  }
0x3f: {  	v5 =	vld [tilespmem:s24+$0x0];
	[tilespmem:s22+$0x410] =	vst v7;
	v7 =	vsel vm0, $0x3F800000, v0;
	vm0 =	veq.s32 v2, v1  }
0x40: {  	v2 =	vld [tilespmem:s24+$0x10];
	[tilespmem:s22+$0x420] =	vst v7;
	v7 =	vsel vm0, $0x3F800000, v0;
	vm0 =	veq.s32 v3, v1  }
0x41: {  	s0 =	sshll.u32 s31, $0xB;
	v3 =	vld [tilespmem:s24+$0x20];
	[tilespmem:s22+$0x430] =	vst v7;
	v7 =	vsel vm0, $0x3F800000, v0;
	vm0 =	veq.s32 v8, v1  }
0x42: {  	s0 =	sadd.s32 s30, s0;
	v8 =	vld [tilespmem:s24+$0x30];
	[tilespmem:s22+$0x440] =	vst v7;
	v7 =	vsel vm0, $0x3F800000, v0;
	vm0 =	veq.s32 v6, v1  }
0x43: {  	v6 =	vld [tilespmem:s24+$0x40];
	s0 =	sor.u32 s29, s0;
	vm1 =	veq.s32 v4, v1;
	[tilespmem:s22+$0x450] =	vst v7;
	v4 =	vsel vm0, $0x3F800000, v0  }
0x44: {  	vm0 =	veq.s32 v5, v1;
	s1 =	sadd.s32 $0x15000, s0;
	v5 =	vld [tilespmem:s24+$0x50];
	v7 =	vsel vm1, $0x3F800000, v0;
	[tilespmem:s22+$0x460] =	vst v4  }
0x45: {  	v4 =	vsel vm0, $0x3F800000, v0;
	vm0 =	veq.s32 v2, v1;
	v2 =	vld [tilespmem:s24+$0x60];
	[tilespmem:s1+$0x470] =	vst v7  }
0x46: {  	[tilespmem:s0+$0x15000] =	vst v4;
	v4 =	vsel vm0, $0x3F800000, v0;
	vm0 =	veq.s32 v3, v1;
	v3 =	vld [tilespmem:s24+$0x70]  }
0x47: {  	v7 =	vld [tilespmem:s24+$0x400];
	[tilespmem:s1+$0x10] =	vst v4;
	v4 =	vsel vm0, $0x3F800000, v0;
	vm0 =	veq.s32 v8, v1  }
0x48: {  	[tilespmem:s1+$0x20] =	vst v4;
	v4 =	vsel vm0, $0x3F800000, v0;
	vm0 =	veq.s32 v6, v1;
	v6 =	vld [tilespmem:s24+$0x410]  }
0x49: {  	[tilespmem:s1+$0x30] =	vst v4;
	v4 =	vsel vm0, $0x3F800000, v0;
	vm0 =	veq.s32 v5, v1;
	v5 =	vld [tilespmem:s24+$0x420]  }
0x4a: {  	[tilespmem:s1+$0x40] =	vst v4;
	v4 =	vsel vm0, $0x3F800000, v0;
	vm0 =	veq.s32 v2, v1;
	v2 =	vld [tilespmem:s24+$0x430]  }
0x4b: {  	[tilespmem:s1+$0x50] =	vst v4;
	v4 =	vsel vm0, $0x3F800000, v0;
	vm0 =	veq.s32 v3, v1;
	v3 =	vld [tilespmem:s24+$0x440]  }
0x4c: {  	[tilespmem:s1+$0x60] =	vst v4;
	v4 =	vsel vm0, $0x3F800000, v0;
	vm0 =	veq.s32 v7, v1;
	v7 =	vld [tilespmem:s24+$0x450]  }
0x4d: {  	[tilespmem:s1+$0x70] =	vst v4;
	v4 =	vsel vm0, $0x3F800000, v0;
	vm0 =	veq.s32 v6, v1;
	v6 =	vld [tilespmem:s24+$0x460]  }
0x4e: {  	[tilespmem:s1+$0x400] =	vst v4;
	v4 =	vsel vm0, $0x3F800000, v0;
	vm0 =	veq.s32 v5, v1  }
0x4f: {  	[tilespmem:s1+$0x410] =	vst v4;
	v4 =	vsel vm0, $0x3F800000, v0;
	vm0 =	veq.s32 v2, v1  }
0x50: {  	s23 =	smul.u32 $0x1C0000, s19;
	[tilespmem:s1+$0x420] =	vst v4;
	v2 =	vsel vm0, $0x3F800000, v0;
	vm0 =	veq.s32 v3, v1  }
0x51: {  	[tilespmem:s1+$0x430] =	vst v2;
	v2 =	vsel vm0, $0x3F800000, v0;
	vm0 =	veq.s32 v7, v1  }
0x52: {  	s0 =	sor.u32 s4, s23;
	[tilespmem:s1+$0x440] =	vst v2;
	v2 =	vsel vm0, $0x3F800000, v0;
	vm0 =	veq.s32 v6, v1  }
0x53: {  	s0 =	sshrl.u32 s0, $0x3;
	[tilespmem:s1+$0x450] =	vst v2;
	v1 =	vsel vm0, $0x3F800000, v0  }
0x54: {  	s0 =	sadd.s32 s2, s0;
	s24 =	simm.s32 $0x0;
	[tilespmem:s1+$0x460] =	vst v1  }
0x55: {  	[hbm4b:s0+s9] =	stream.strided.scatter [tilespmem:s13], [sflag:$0x3], $0x3800, s10, s9, $0x38;
	[tilespmem:$0x1C000] =	vst v63  }
0x56: {  	s25 =	simm.s32 $0x0;
	s0 =	sand.u32 $0xFFF0, s24  }
0x57: {  	s1 =	smulhi.u32 $0x24924925, s25;
	s0 =	sshrl.u32 s0, $0x4  }
0x58: {  	p1 =	sgt.u32 s19, $0x4;
	s21 =	simm.s32 $0x1;
	s0 =	smul.u32 $0x2493, s0  }
0x59: {  	p2 =	sgt.u32 s19, $0x7;
	s21 =	simm.s32 @!p1 $0x0;
	s22 =	simm.s32 $0x1  }
0x5a: {  	s22 =	simm.s32 @!p2 $0x0;
	s23 =	smul.u32 $0x700, s1;
	s0 =	sshrl.u32 s0, $0x10  }
0x5b: {  	s21 =	sadd.s32 s22, s21;
	s24 =	simm.s32 @!p0 $0x4;
	s26 =	smul.u32 $0x6000, s0  }
0x5c: {  	s21 =	sshll.u32 s21, $0xB;
	_ =	swait.ge @!p0 [sflag:s24], $0x3800  }
0x5d: {  	s1 =	sshll.u32 s1, $0x7;
	s23 =	ssub.s32 $0x0, s23;
	s22 =	sshrl.u32 s26, $0x2  }
0x5e: {  	s1 =	sadd.s32 $0x0, s1;
	s26 =	sand.u32 $0xFFFFF800, s23;
	s22 =	sadd.s32 s22, s21  }
0x5f: {  	[sflag:s24] =	ssyncset.done @!p0 $0x0;
	s1 =	sand.u32 $0x380, s1;
	s22 =	sadd.s32 s26, s22  }
0x60: {  	[sflag:s24] =	ssyncadd.s32 @!p0 $0xFFFFC800;
	s25 =	sadd.s32 s1, s22  }
0x61: {  	s22 =	simm.s32 $0xFFFFFFF5;
	v2 =	vld [tilespmem:s25+$0x470]  }
0x62: {  	s20 =	sor.u32 $0x1, s20;
	s23 =	simm.s32 $0xFFFFFFFA;
	s22 =	simm.s32 @!p1 $0x0;
	v3 =	vld [tilespmem:s25+$0x0]  }
0x63: {  	s23 =	simm.s32 @!p2 $0x0;
	v4 =	vld [tilespmem:s25+$0x10];
	s22 =	sadd.s32 s20, s22  }
0x64: {  	s0 =	sshll.u32 s0, $0xB;
	v5 =	vld [tilespmem:s25+$0x20];
	s22 =	sadd.s32 s23, s22  }
0x65: {  	s0 =	sadd.s32 s26, s0;
	v6 =	vld [tilespmem:s25+$0x30];
	s23 =	simm.s32 $0x10;
	v1 =	vmov s22  }
0x66: {  	s31 =	simm.s32 $0x1;
	s0 =	sor.u32 s1, s0;
	v7 =	vld [tilespmem:s25+$0x40];
	s11 =	sand.u32 $0xFFF0, s23;
	vm0 =	veq.s32 v2, v1  }
0x67: {  	s26 =	smulhi.u32 $0x24924925, s31;
	s22 =	sadd.s32 $0x18800, s0;
	s24 =	sshrl.u32 s11, $0x4;
	vm1 =	veq.s32 v3, v1;
	v2 =	vld [tilespmem:s25+$0x50];
	v3 =	vsel vm0, $0x3F800000, v0  }
0x68: {  	s24 =	smul.u32 $0x2493, s24;
	v8 =	vsel vm1, $0x3F800000, v0;
	vm0 =	veq.s32 v4, v1;
	v4 =	vld [tilespmem:s25+$0x60];
	[tilespmem:s22+$0x470] =	vst v3  }
0x69: {  	[tilespmem:s0+$0x18800] =	vst v8;
	v3 =	vsel vm0, $0x3F800000, v0;
	vm0 =	veq.s32 v5, v1;
	v5 =	vld [tilespmem:s25+$0x70]  }
0x6a: {  	s11 =	smul.u32 $0x700, s26;
	s31 =	sshrl.u32 s24, $0x10;
	[tilespmem:s22+$0x10] =	vst v3;
	v3 =	vsel vm0, $0x3F800000, v0;
	vm0 =	veq.s32 v6, v1;
	v6 =	vld [tilespmem:s25+$0x400]  }
0x6b: {  	s24 =	smul.u32 $0x6000, s31;
	[tilespmem:s22+$0x20] =	vst v3;
	v3 =	vsel vm0, $0x3F800000, v0;
	vm0 =	veq.s32 v7, v1;
	v7 =	vld [tilespmem:s25+$0x410]  }
0x6c: {  	[tilespmem:s22+$0x30] =	vst v3;
	v3 =	vsel vm0, $0x3F800000, v0;
	vm0 =	veq.s32 v2, v1;
	v2 =	vld [tilespmem:s25+$0x420]  }
0x6d: {  	s1 =	sshll.u32 s26, $0x7;
	s0 =	ssub.s32 $0x100, s11;
	v8 =	vld [tilespmem:s25+$0x430];
	s24 =	sshrl.u32 s24, $0x2;
	[tilespmem:s22+$0x40] =	vst v3;
	v3 =	vsel vm0, $0x3F800000, v0;
	vm0 =	veq.s32 v4, v1  }
0x6e: {  	v9 =	vld [tilespmem:s25+$0x440];
	s1 =	sadd.s32 $0x80, s1;
	s30 =	sand.u32 $0xFFFFF800, s0;
	s26 =	sadd.s32 s24, s21;
	[tilespmem:s22+$0x50] =	vst v3;
	v3 =	vsel vm0, $0x3F800000, v0;
	vm0 =	veq.s32 v5, v1  }
0x6f: {  	v10 =	vld [tilespmem:s25+$0x450];
	s29 =	sand.u32 $0x380, s1;
	s0 =	sadd.s32 s30, s26;
	[tilespmem:s22+$0x60] =	vst v3;
	v3 =	vsel vm0, $0x3F800000, v0;
	vm0 =	veq.s32 v6, v1  }
0x70: {  	s24 =	sadd.s32 s29, s0;
	v6 =	vld [tilespmem:s25+$0x460];
	[tilespmem:s22+$0x70] =	vst v3;
	v3 =	vsel vm0, $0x3F800000, v0;
	vm0 =	veq.s32 v7, v1  }
0x71: {  	v4 =	vld [tilespmem:s24+$0x470];
	[tilespmem:s22+$0x400] =	vst v3;
	v3 =	vsel vm0, $0x3F800000, v0;
	vm0 =	veq.s32 v2, v1  }
0x72: {  	v5 =	vld [tilespmem:s24+$0x0];
	[tilespmem:s22+$0x410] =	vst v3;
	v3 =	vsel vm0, $0x3F800000, v0;
	vm0 =	veq.s32 v8, v1  }
0x73: {  	s28 =	simm.s32 $0x100;
	v2 =	vld [tilespmem:s24+$0x10];
	[tilespmem:s22+$0x420] =	vst v3;
	v7 =	vsel vm0, $0x3F800000, v0;
	vm0 =	veq.s32 v9, v1  }
0x74: {  	s26 =	simm.s32 $0x80;
	s25 =	simm.s32 $0x10;
	s0 =	sshll.u32 s31, $0xB;
	v3 =	vld [tilespmem:s24+$0x20];
	[tilespmem:s22+$0x430] =	vst v7;
	v7 =	vsel vm0, $0x3F800000, v0;
	vm0 =	veq.s32 v10, v1  }
.LBB2_5:
0x75: {  	s23 =	sadd.s32 $0x10, s23;
	s0 =	sadd.s32 s30, s0;
	v8 =	vld [tilespmem:s24+$0x30];
	s25 =	sadd.s32 $0x10, s25;
	[tilespmem:s22+$0x440] =	vst v7;
	v7 =	vsel vm0, $0x3F800000, v0;
	vm0 =	veq.s32 v6, v1  }
0x76: {  	s1 =	sshrl.u32 s25, $0x4;
	s30 =	sand.u32 $0xFFF0, s23;
	s0 =	sor.u32 s29, s0;
	v6 =	vld [tilespmem:s24+$0x40];
	vm1 =	veq.s32 v4, v1;
	[tilespmem:s22+$0x450] =	vst v7;
	v4 =	vsel vm0, $0x3F800000, v0  }
0x77: {  	s1 =	smulhi.u32 $0x24924925, s1;
	s29 =	sshrl.u32 s30, $0x4;
	vm0 =	veq.s32 v5, v1;
	v5 =	vld [tilespmem:s24+$0x50];
	v7 =	vsel vm1, $0x3F800000, v0;
	[tilespmem:s22+$0x460] =	vst v4;
	s22 =	sadd.s32 $0x18800, s0  }
0x78: {  	p0 =	slt.u32 s23, $0x300;
	s29 =	smul.u32 $0x2493, s29;
	v4 =	vsel vm0, $0x3F800000, v0;
	vm0 =	veq.s32 v2, v1;
	v2 =	vld [tilespmem:s24+$0x60];
	[tilespmem:s22+$0x470] =	vst v7  }
0x79: {  	[tilespmem:s0+$0x18800] =	vst v4;
	v4 =	vsel vm0, $0x3F800000, v0;
	vm0 =	veq.s32 v3, v1;
	v3 =	vld [tilespmem:s24+$0x70]  }
0x7a: {  	s0 =	smul.u32 $0x700, s1;
	s31 =	sshrl.u32 s29, $0x10;
	[tilespmem:s22+$0x10] =	vst v4;
	v4 =	vsel vm0, $0x3F800000, v0;
	vm0 =	veq.s32 v8, v1;
	v7 =	vld [tilespmem:s24+$0x400]  }
0x7b: {  	s29 =	smul.u32 $0x6000, s31;
	[tilespmem:s22+$0x20] =	vst v4;
	v4 =	vsel vm0, $0x3F800000, v0;
	vm0 =	veq.s32 v6, v1;
	v6 =	vld [tilespmem:s24+$0x410]  }
0x7c: {  	s26 =	sadd.s32 $0x80, s26;
	s28 =	sadd.s32 $0x100, s28;
	[tilespmem:s22+$0x30] =	vst v4;
	v4 =	vsel vm0, $0x3F800000, v0;
	vm0 =	veq.s32 v5, v1;
	v5 =	vld [tilespmem:s24+$0x420]  }
0x7d: {  	s1 =	sshll.u32 s1, $0x7;
	s0 =	ssub.s32 s28, s0;
	s29 =	sshrl.u32 s29, $0x2;
	[tilespmem:s22+$0x40] =	vst v4;
	v4 =	vsel vm0, $0x3F800000, v0;
	vm0 =	veq.s32 v2, v1;
	v2 =	vld [tilespmem:s24+$0x430]  }
0x7e: {  	s1 =	sadd.s32 s1, s26;
	s30 =	sand.u32 $0xFFFFF800, s0;
	s0 =	sadd.s32 s29, s21;
	[tilespmem:s22+$0x50] =	vst v4;
	v4 =	vsel vm0, $0x3F800000, v0;
	vm0 =	veq.s32 v3, v1;
	v3 =	vld [tilespmem:s24+$0x440]  }
0x7f: {  	s29 =	sand.u32 $0x380, s1;
	s0 =	sadd.s32 s30, s0;
	[tilespmem:s22+$0x60] =	vst v4;
	v4 =	vsel vm0, $0x3F800000, v0;
	vm0 =	veq.s32 v7, v1;
	v8 =	vld [tilespmem:s24+$0x450]  }
.Ltmp1:
0x80: {  	[tilespmem:s22+$0x70] =	vst v4;
	v7 =	vsel vm0, $0x3F800000, v0;
	vm0 =	veq.s32 v6, v1;
	v6 =	vld [tilespmem:s24+$0x460];
	s24 =	sadd.s32 s29, s0;
	(pc) =	sbr.rel @p0 .LBB2_5-.Ltmp1, $4  }
0x81: {  	v4 =	vld [tilespmem:s24+$0x470];
	[tilespmem:s22+$0x400] =	vst v7;
	v7 =	vsel vm0, $0x3F800000, v0;
	vm0 =	veq.s32 v5, v1  }
0x82: {  	v5 =	vld [tilespmem:s24+$0x0];
	[tilespmem:s22+$0x410] =	vst v7;
	v7 =	vsel vm0, $0x3F800000, v0;
	vm0 =	veq.s32 v2, v1  }
0x83: {  	v2 =	vld [tilespmem:s24+$0x10];
	[tilespmem:s22+$0x420] =	vst v7;
	v7 =	vsel vm0, $0x3F800000, v0;
	vm0 =	veq.s32 v3, v1  }
0x84: {  	s0 =	sshll.u32 s31, $0xB;
	v3 =	vld [tilespmem:s24+$0x20];
	[tilespmem:s22+$0x430] =	vst v7;
	v7 =	vsel vm0, $0x3F800000, v0;
	vm0 =	veq.s32 v8, v1  }
0x85: {  	v8 =	vld [tilespmem:s24+$0x30]  }
0x86: {  	v44 =	vld [tilespmem:s24+$0x40]  }
0x87: {  	s0 =	sadd.s32 s30, s0;
	[tilespmem:s22+$0x440] =	vst v7;
	v43 =	vsel vm0, $0x3F800000, v0;
	vm12 =	veq.s32 v6, v1;
	v46 =	vld [tilespmem:s24+$0x50]  }
0x88: {  	v51 =	vld [tilespmem:s24+$0x400];
	s0 =	sor.u32 s29, s0;
	vm1 =	veq.s32 v4, v1;
	[tilespmem:s22+$0x450] =	vst v43;
	v45 =	vsel vm12, $0x3F800000, v0  }
0x89: {  	v53 =	vld [tilespmem:s24+$0x410];
	vm13 =	veq.s32 v5, v1;
	s1 =	sadd.s32 $0x18800, s0;
	v47 =	vsel vm1, $0x3F800000, v0;
	[tilespmem:s22+$0x460] =	vst v45  }
0x8a: {  	v48 =	vsel vm13, $0x3F800000, v0;
	vm14 =	veq.s32 v2, v1;
	v2 =	vld [tilespmem:s24+$0x60];
	[tilespmem:s1+$0x470] =	vst v47  }
0x8b: {  	v55 =	vld [tilespmem:s24+$0x420];
	[tilespmem:s0+$0x18800] =	vst v48;
	v49 =	vsel vm14, $0x3F800000, v0;
	vm15 =	veq.s32 v3, v1  }
0x8c: {  	v3 =	vld [tilespmem:s24+$0x70];
	[tilespmem:s1+$0x10] =	vst v49;
	v50 =	vsel vm15, $0x3F800000, v0;
	vm4 =	veq.s32 v8, v1  }
0x8d: {  	vm5 =	veq.s32 v44, v1;
	[tilespmem:s1+$0x20] =	vst v50;
	v52 =	vsel vm4, $0x3F800000, v0  }
0x8e: {  	v59 =	vld [tilespmem:s24+$0x450];
	vm6 =	veq.s32 v46, v1;
	v54 =	vsel vm5, $0x3F800000, v0;
	[tilespmem:s1+$0x30] =	vst v52  }
0x8f: {  	vm9 =	veq.s32 v51, v1;
	v56 =	vsel vm6, $0x3F800000, v0;
	[tilespmem:s1+$0x40] =	vst v54;
	vm7 =	veq.s32 v2, v1;
	v2 =	vld [tilespmem:s24+$0x430]  }
0x90: {  	v61 =	vld [tilespmem:s24+$0x460];
	vm10 =	veq.s32 v53, v1;
	v60 =	vsel vm9, $0x3F800000, v0;
	[tilespmem:s1+$0x50] =	vst v56  }
0x91: {  	vm11 =	veq.s32 v55, v1;
	v62 =	vsel vm10, $0x3F800000, v0;
	[tilespmem:s1+$0x400] =	vst v60;
	vm8 =	veq.s32 v3, v1;
	v3 =	vld [tilespmem:s24+$0x440]  }
0x92: {  	v63 =	vsel vm11, $0x3F800000, v0;
	[tilespmem:s1+$0x410] =	vst v62  }
0x93: {  	[tilespmem:s1+$0x420] =	vst v63;
	v57 =	vsel vm7, $0x3F800000, v0  }
0x94: {  	s19 =	sadd.s32 $0x1, s19;
	[tilespmem:s1+$0x60] =	vst v57;
	v58 =	vsel vm8, $0x3F800000, v0;
	vm12 =	veq.s32 v2, v1  }
0x95: {  	s31 =	smul.u32 $0xE0000, s20;
	p0 =	sne.s32 s19, $0xA;
	vm15 =	veq.s32 v61, v1;
	[tilespmem:s1+$0x70] =	vst v58;
	v2 =	vsel vm12, $0x3F800000, v0  }
.Ltmp2:
0x96: {  	vm14 =	veq.s32 v59, v1;
	vm13 =	veq.s32 v3, v1;
	v1 =	vsel vm15, $0x3F800000, v0;
	[tilespmem:s1+$0x430] =	vst v2;
	(pc) =	sbr.rel @p0 .LBB2_2-.Ltmp2, $4  }
0x97: {  	s0 =	sor.u32 s4, s31;
	v2 =	vsel vm13, $0x3F800000, v0;
	[tilespmem:s1+$0x460] =	vst v1  }
0x98: {  	s0 =	sshrl.u32 s0, $0x3;
	[tilespmem:s1+$0x440] =	vst v2;
	v2 =	vsel vm14, $0x3F800000, v0  }
0x99: {  	s0 =	sadd.s32 s2, s0;
	[tilespmem:s1+$0x450] =	vst v2  }
0x9a: {  	[hbm4b:s0+s9] =	stream.strided.scatter [tilespmem:s14], [sflag:$0x4], $0x3800, s10, s9, $0x38;
	[tilespmem:$0x1C000] =	vst v63  }
0x9b: {  	_ =	swait.ge [sflag:s15], $0xA800  }
0x9c: {  	[sflag:s15] =	ssyncset.done $0x0  }
0x9d: {  	s19 =	simm.s32 $0x0;
	[sflag:s15] =	ssyncadd.s32 $0xFFFF5800  }
.LBB2_8:
0x9e: {  	s0 =	simm.s32 $0x0  }
0x9f: {  	s1 =	simm.s32 $0x0;
	s0 =	sand.u32 $0xFFF0, s0  }
0xa0: {  	s1 =	smulhi.u32 $0x24924925, s1;
	s0 =	sshrl.u32 s0, $0x4  }
0xa1: {  	p0 =	sgt.u32 s19, $0x5;
	s20 =	simm.s32 $0x1;
	s0 =	smul.u32 $0x2493, s0  }
0xa2: {  	p1 =	seq.s32 s19, $0x9;
	s21 =	simm.s32 $0x1;
	s20 =	simm.s32 @!p0 $0x0  }
0xa3: {  	s21 =	simm.s32 @!p1 $0x0;
	s22 =	smul.u32 $0x700, s1;
	s0 =	sshrl.u32 s0, $0x10  }
0xa4: {  	s20 =	sadd.s32 s21, s20;
	s23 =	smul.u32 $0x6000, s0  }
0xa5: {  	_ =	swait.ge [sflag:s16], $0x3800;
	s20 =	sshll.u32 s20, $0xB;
	s1 =	sshll.u32 s1, $0x7  }
0xa6: {  	s21 =	sadd.s32 $0xA800, s20;
	s22 =	ssub.s32 $0x0, s22;
	s23 =	sshrl.u32 s23, $0x2  }
0xa7: {  	s1 =	sadd.s32 $0x0, s1;
	s25 =	sand.u32 $0xFFFFF800, s22;
	s24 =	sadd.s32 s23, s21  }
0xa8: {  	[sflag:s16] =	ssyncset.done $0x0;
	s1 =	sand.u32 $0x380, s1;
	s20 =	sadd.s32 s25, s24  }
0xa9: {  	[sflag:s16] =	ssyncadd.s32 $0xFFFFC800;
	s24 =	sadd.s32 s1, s20  }
0xaa: {  	s22 =	simm.s32 $0xFFFFFFF5;
	v2 =	vld [tilespmem:s24+$0x470]  }
0xab: {  	s22 =	simm.s32 @!p0 $0x0;
	s23 =	simm.s32 $0xFFFFFFFA;
	s20 =	sshll.u32 s19, $0x1;
	v3 =	vld [tilespmem:s24+$0x0]  }
0xac: {  	s23 =	simm.s32 @!p1 $0x0;
	s22 =	sadd.s32 s20, s22;
	v4 =	vld [tilespmem:s24+$0x10]  }
0xad: {  	s0 =	sshll.u32 s0, $0xB;
	v5 =	vld [tilespmem:s24+$0x20];
	s22 =	sadd.s32 s23, s22  }
0xae: {  	s0 =	sadd.s32 s25, s0;
	v6 =	vld [tilespmem:s24+$0x30];
	s23 =	simm.s32 $0x10;
	v1 =	vmov s22  }
0xaf: {  	s26 =	simm.s32 $0x1;
	s0 =	sor.u32 s1, s0;
	v7 =	vld [tilespmem:s24+$0x40];
	s11 =	sand.u32 $0xFFF0, s23;
	vm0 =	veq.s32 v2, v1  }
0xb0: {  	s1 =	smulhi.u32 $0x24924925, s26;
	s22 =	sadd.s32 $0x15000, s0;
	s25 =	sshrl.u32 s11, $0x4;
	vm1 =	veq.s32 v3, v1;
	v2 =	vld [tilespmem:s24+$0x50];
	v3 =	vsel vm0, $0x3F800000, v0  }
0xb1: {  	s25 =	smul.u32 $0x2493, s25;
	v8 =	vsel vm1, $0x3F800000, v0;
	vm0 =	veq.s32 v4, v1;
	v4 =	vld [tilespmem:s24+$0x60];
	[tilespmem:s22+$0x470] =	vst v3  }
0xb2: {  	[tilespmem:s0+$0x15000] =	vst v8;
	v3 =	vsel vm0, $0x3F800000, v0;
	vm0 =	veq.s32 v5, v1;
	v5 =	vld [tilespmem:s24+$0x70]  }
0xb3: {  	s26 =	smul.u32 $0x700, s1;
	s11 =	sshrl.u32 s25, $0x10;
	[tilespmem:s22+$0x10] =	vst v3;
	v3 =	vsel vm0, $0x3F800000, v0;
	vm0 =	veq.s32 v6, v1;
	v6 =	vld [tilespmem:s24+$0x400]  }
0xb4: {  	s25 =	smul.u32 $0x6000, s11;
	[tilespmem:s22+$0x20] =	vst v3;
	v3 =	vsel vm0, $0x3F800000, v0;
	vm0 =	veq.s32 v7, v1;
	v7 =	vld [tilespmem:s24+$0x410]  }
0xb5: {  	[tilespmem:s22+$0x30] =	vst v3;
	v3 =	vsel vm0, $0x3F800000, v0;
	vm0 =	veq.s32 v2, v1;
	v2 =	vld [tilespmem:s24+$0x420]  }
0xb6: {  	s1 =	sshll.u32 s1, $0x7;
	s0 =	ssub.s32 $0x100, s26;
	v8 =	vld [tilespmem:s24+$0x430];
	s25 =	sshrl.u32 s25, $0x2;
	[tilespmem:s22+$0x40] =	vst v3;
	v3 =	vsel vm0, $0x3F800000, v0;
	vm0 =	veq.s32 v4, v1  }
0xb7: {  	v9 =	vld [tilespmem:s24+$0x440];
	s1 =	sadd.s32 $0x80, s1;
	s30 =	sand.u32 $0xFFFFF800, s0;
	s25 =	sadd.s32 s25, s21;
	[tilespmem:s22+$0x50] =	vst v3;
	v3 =	vsel vm0, $0x3F800000, v0;
	vm0 =	veq.s32 v5, v1  }
0xb8: {  	v10 =	vld [tilespmem:s24+$0x450];
	s31 =	sand.u32 $0x380, s1;
	s0 =	sadd.s32 s30, s25;
	[tilespmem:s22+$0x60] =	vst v3;
	v3 =	vsel vm0, $0x3F800000, v0;
	vm0 =	veq.s32 v6, v1  }
0xb9: {  	s26 =	smul.u32 $0x1C0000, s19;
	s25 =	sadd.s32 s31, s0;
	v6 =	vld [tilespmem:s24+$0x460];
	[tilespmem:s22+$0x70] =	vst v3;
	v3 =	vsel vm0, $0x3F800000, v0;
	vm0 =	veq.s32 v7, v1  }
0xba: {  	v4 =	vld [tilespmem:s25+$0x470];
	[tilespmem:s22+$0x400] =	vst v3;
	v3 =	vsel vm0, $0x3F800000, v0;
	vm0 =	veq.s32 v2, v1  }
0xbb: {  	s26 =	sor.u32 s5, s26;
	v5 =	vld [tilespmem:s25+$0x0];
	[tilespmem:s22+$0x410] =	vst v3;
	v3 =	vsel vm0, $0x3F800000, v0;
	vm0 =	veq.s32 v8, v1  }
0xbc: {  	s28 =	simm.s32 $0x80;
	s29 =	simm.s32 $0x100;
	s0 =	sshrl.u32 s26, $0x3;
	v2 =	vld [tilespmem:s25+$0x10];
	[tilespmem:s22+$0x420] =	vst v3;
	v7 =	vsel vm0, $0x3F800000, v0;
	vm0 =	veq.s32 v9, v1  }
0xbd: {  	s26 =	simm.s32 $0x10;
	s24 =	sadd.s32 s2, s0;
	s0 =	sshll.u32 s11, $0xB;
	v3 =	vld [tilespmem:s25+$0x20];
	[tilespmem:s22+$0x430] =	vst v7;
	v7 =	vsel vm0, $0x3F800000, v0;
	vm0 =	veq.s32 v10, v1  }
.LBB2_9:
0xbe: {  	s23 =	sadd.s32 $0x10, s23;
	s0 =	sadd.s32 s30, s0;
	v8 =	vld [tilespmem:s25+$0x30];
	s26 =	sadd.s32 $0x10, s26;
	[tilespmem:s22+$0x440] =	vst v7;
	v7 =	vsel vm0, $0x3F800000, v0;
	vm0 =	veq.s32 v6, v1  }
0xbf: {  	s1 =	sshrl.u32 s26, $0x4;
	s11 =	sand.u32 $0xFFF0, s23;
	s0 =	sor.u32 s31, s0;
	v6 =	vld [tilespmem:s25+$0x40];
	vm1 =	veq.s32 v4, v1;
	[tilespmem:s22+$0x450] =	vst v7;
	v4 =	vsel vm0, $0x3F800000, v0  }
0xc0: {  	s1 =	smulhi.u32 $0x24924925, s1;
	s11 =	sshrl.u32 s11, $0x4;
	vm0 =	veq.s32 v5, v1;
	v5 =	vld [tilespmem:s25+$0x50];
	v7 =	vsel vm1, $0x3F800000, v0;
	[tilespmem:s22+$0x460] =	vst v4;
	s22 =	sadd.s32 $0x15000, s0  }
0xc1: {  	p0 =	slt.u32 s23, $0x300;
	s11 =	smul.u32 $0x2493, s11;
	v4 =	vsel vm0, $0x3F800000, v0;
	vm0 =	veq.s32 v2, v1;
	v2 =	vld [tilespmem:s25+$0x60];
	[tilespmem:s22+$0x470] =	vst v7  }
0xc2: {  	[tilespmem:s0+$0x15000] =	vst v4;
	v4 =	vsel vm0, $0x3F800000, v0;
	vm0 =	veq.s32 v3, v1;
	v3 =	vld [tilespmem:s25+$0x70]  }
0xc3: {  	s30 =	smul.u32 $0x700, s1;
	s0 =	sshrl.u32 s11, $0x10;
	[tilespmem:s22+$0x10] =	vst v4;
	v4 =	vsel vm0, $0x3F800000, v0;
	vm0 =	veq.s32 v8, v1;
	v7 =	vld [tilespmem:s25+$0x400]  }
0xc4: {  	s11 =	smul.u32 $0x6000, s0;
	[tilespmem:s22+$0x20] =	vst v4;
	v4 =	vsel vm0, $0x3F800000, v0;
	vm0 =	veq.s32 v6, v1;
	v6 =	vld [tilespmem:s25+$0x410]  }
0xc5: {  	s28 =	sadd.s32 $0x80, s28;
	s29 =	sadd.s32 $0x100, s29;
	[tilespmem:s22+$0x30] =	vst v4;
	v4 =	vsel vm0, $0x3F800000, v0;
	vm0 =	veq.s32 v5, v1;
	v5 =	vld [tilespmem:s25+$0x420]  }
0xc6: {  	s1 =	sshll.u32 s1, $0x7;
	s30 =	ssub.s32 s29, s30;
	s11 =	sshrl.u32 s11, $0x2;
	[tilespmem:s22+$0x40] =	vst v4;
	v4 =	vsel vm0, $0x3F800000, v0;
	vm0 =	veq.s32 v2, v1;
	v2 =	vld [tilespmem:s25+$0x430]  }
0xc7: {  	s1 =	sadd.s32 s1, s28;
	s30 =	sand.u32 $0xFFFFF800, s30;
	s11 =	sadd.s32 s11, s21;
	[tilespmem:s22+$0x50] =	vst v4;
	v4 =	vsel vm0, $0x3F800000, v0;
	vm0 =	veq.s32 v3, v1;
	v3 =	vld [tilespmem:s25+$0x440]  }
0xc8: {  	s31 =	sand.u32 $0x380, s1;
	s1 =	sadd.s32 s30, s11;
	[tilespmem:s22+$0x60] =	vst v4;
	v4 =	vsel vm0, $0x3F800000, v0;
	vm0 =	veq.s32 v7, v1;
	v8 =	vld [tilespmem:s25+$0x450]  }
.Ltmp3:
0xc9: {  	[tilespmem:s22+$0x70] =	vst v4;
	v7 =	vsel vm0, $0x3F800000, v0;
	vm0 =	veq.s32 v6, v1;
	v6 =	vld [tilespmem:s25+$0x460];
	s25 =	sadd.s32 s31, s1;
	(pc) =	sbr.rel @p0 .LBB2_9-.Ltmp3, $4  }
0xca: {  	v4 =	vld [tilespmem:s25+$0x470];
	[tilespmem:s22+$0x400] =	vst v7;
	v7 =	vsel vm0, $0x3F800000, v0;
	vm0 =	veq.s32 v5, v1  }
0xcb: {  	v5 =	vld [tilespmem:s25+$0x0];
	[tilespmem:s22+$0x410] =	vst v7;
	v7 =	vsel vm0, $0x3F800000, v0;
	vm0 =	veq.s32 v2, v1  }
0xcc: {  	v2 =	vld [tilespmem:s25+$0x10];
	[tilespmem:s22+$0x420] =	vst v7;
	v7 =	vsel vm0, $0x3F800000, v0;
	vm0 =	veq.s32 v3, v1  }
0xcd: {  	s0 =	sshll.u32 s0, $0xB;
	v3 =	vld [tilespmem:s25+$0x20];
	[tilespmem:s22+$0x430] =	vst v7;
	v7 =	vsel vm0, $0x3F800000, v0;
	vm0 =	veq.s32 v8, v1  }
0xce: {  	s0 =	sadd.s32 s30, s0;
	v8 =	vld [tilespmem:s25+$0x30];
	[tilespmem:s22+$0x440] =	vst v7;
	v7 =	vsel vm0, $0x3F800000, v0;
	vm0 =	veq.s32 v6, v1  }
0xcf: {  	v6 =	vld [tilespmem:s25+$0x40];
	s0 =	sor.u32 s31, s0;
	vm1 =	veq.s32 v4, v1;
	[tilespmem:s22+$0x450] =	vst v7;
	v4 =	vsel vm0, $0x3F800000, v0  }
0xd0: {  	vm0 =	veq.s32 v5, v1;
	s1 =	sadd.s32 $0x15000, s0;
	v5 =	vld [tilespmem:s25+$0x50];
	v7 =	vsel vm1, $0x3F800000, v0;
	[tilespmem:s22+$0x460] =	vst v4  }
0xd1: {  	v4 =	vsel vm0, $0x3F800000, v0;
	vm0 =	veq.s32 v2, v1;
	v2 =	vld [tilespmem:s25+$0x60];
	[tilespmem:s1+$0x470] =	vst v7  }
0xd2: {  	[tilespmem:s0+$0x15000] =	vst v4;
	v4 =	vsel vm0, $0x3F800000, v0;
	vm0 =	veq.s32 v3, v1;
	v3 =	vld [tilespmem:s25+$0x70]  }
0xd3: {  	v7 =	vld [tilespmem:s25+$0x400];
	[tilespmem:s1+$0x10] =	vst v4;
	v4 =	vsel vm0, $0x3F800000, v0;
	vm0 =	veq.s32 v8, v1  }
0xd4: {  	[tilespmem:s1+$0x20] =	vst v4;
	v4 =	vsel vm0, $0x3F800000, v0;
	vm0 =	veq.s32 v6, v1;
	v6 =	vld [tilespmem:s25+$0x410]  }
0xd5: {  	[tilespmem:s1+$0x30] =	vst v4;
	v4 =	vsel vm0, $0x3F800000, v0;
	vm0 =	veq.s32 v5, v1;
	v5 =	vld [tilespmem:s25+$0x420]  }
0xd6: {  	[tilespmem:s1+$0x40] =	vst v4;
	v4 =	vsel vm0, $0x3F800000, v0;
	vm0 =	veq.s32 v2, v1;
	v2 =	vld [tilespmem:s25+$0x430]  }
0xd7: {  	[tilespmem:s1+$0x50] =	vst v4;
	v4 =	vsel vm0, $0x3F800000, v0;
	vm0 =	veq.s32 v3, v1;
	v3 =	vld [tilespmem:s25+$0x440]  }
0xd8: {  	[tilespmem:s1+$0x60] =	vst v4;
	v4 =	vsel vm0, $0x3F800000, v0;
	vm0 =	veq.s32 v7, v1;
	v7 =	vld [tilespmem:s25+$0x450]  }
0xd9: {  	[tilespmem:s1+$0x70] =	vst v4;
	v4 =	vsel vm0, $0x3F800000, v0;
	vm0 =	veq.s32 v6, v1;
	v6 =	vld [tilespmem:s25+$0x460]  }
0xda: {  	[tilespmem:s1+$0x400] =	vst v4;
	v4 =	vsel vm0, $0x3F800000, v0;
	vm0 =	veq.s32 v5, v1  }
0xdb: {  	[tilespmem:s1+$0x410] =	vst v4;
	v4 =	vsel vm0, $0x3F800000, v0;
	vm0 =	veq.s32 v2, v1  }
0xdc: {  	[tilespmem:s1+$0x420] =	vst v4;
	v2 =	vsel vm0, $0x3F800000, v0;
	vm0 =	veq.s32 v3, v1  }
0xdd: {  	s23 =	simm.s32 $0x0;
	[tilespmem:s1+$0x430] =	vst v2;
	v2 =	vsel vm0, $0x3F800000, v0;
	vm0 =	veq.s32 v7, v1  }
0xde: {  	s0 =	sand.u32 $0xFFF0, s23;
	[tilespmem:s1+$0x440] =	vst v2;
	v2 =	vsel vm0, $0x3F800000, v0;
	vm0 =	veq.s32 v6, v1  }
0xdf: {  	p0 =	sgt.u32 s19, $0x4;
	s0 =	sshrl.u32 s0, $0x4;
	[tilespmem:s1+$0x450] =	vst v2;
	v1 =	vsel vm0, $0x3F800000, v0  }
0xe0: {  	s11 =	simm.s32 $0x1;
	p1 =	sgt.u32 s19, $0x7;
	s0 =	smul.u32 $0x2493, s0;
	[tilespmem:s1+$0x460] =	vst v1  }
0xe1: {  	[hbm4b:s24+s9] =	stream.strided.scatter [tilespmem:s13], [sflag:$0x3], $0x3800, s10, s9, $0x38;
	[tilespmem:$0x1C000] =	vst v63  }
0xe2: {  	s21 =	simm.s32 $0x1;
	s11 =	simm.s32 @!p0 $0x0;
	s24 =	simm.s32 $0x0  }
0xe3: {  	s21 =	simm.s32 @!p1 $0x0;
	s1 =	smulhi.u32 $0x24924925, s24;
	s24 =	sshrl.u32 s0, $0x10  }
0xe4: {  	s11 =	sadd.s32 s21, s11;
	s31 =	smul.u32 $0x6000, s24  }
0xe5: {  	s26 =	sshll.u32 s11, $0xB;
	s25 =	smul.u32 $0x700, s1  }
0xe6: {  	s21 =	sadd.s32 $0xA800, s26;
	_ =	swait.ge [sflag:s17], $0x3800  }
0xe7: {  	s23 =	sshll.u32 s1, $0x7;
	s11 =	sshrl.u32 s31, $0x2;
	s25 =	ssub.s32 $0x0, s25  }
0xe8: {  	s0 =	sadd.s32 $0x0, s23;
	s11 =	sadd.s32 s11, s21;
	s1 =	sand.u32 $0xFFFFF800, s25  }
0xe9: {  	[sflag:s17] =	ssyncset.done $0x0;
	s25 =	sand.u32 $0x380, s0;
	s26 =	sadd.s32 s1, s11  }
0xea: {  	[sflag:s17] =	ssyncadd.s32 $0xFFFFC800;
	s23 =	sadd.s32 s25, s26  }
0xeb: {  	s11 =	simm.s32 $0xFFFFFFF5;
	v2 =	vld [tilespmem:s23+$0x470]  }
0xec: {  	s0 =	sor.u32 $0x1, s20;
	s20 =	simm.s32 $0xFFFFFFFA;
	s11 =	simm.s32 @!p0 $0x0;
	v3 =	vld [tilespmem:s23+$0x0]  }
0xed: {  	s20 =	simm.s32 @!p1 $0x0;
	s11 =	sadd.s32 s0, s11;
	v4 =	vld [tilespmem:s23+$0x10]  }
0xee: {  	s31 =	sshll.u32 s24, $0xB;
	v5 =	vld [tilespmem:s23+$0x20];
	s11 =	sadd.s32 s20, s11  }
0xef: {  	s22 =	simm.s32 $0x10;
	s1 =	sadd.s32 s1, s31;
	v6 =	vld [tilespmem:s23+$0x30];
	v1 =	vmov s11  }
0xf0: {  	s24 =	simm.s32 $0x1;
	s26 =	sand.u32 $0xFFF0, s22;
	s1 =	sor.u32 s25, s1;
	v7 =	vld [tilespmem:s23+$0x40];
	vm0 =	veq.s32 v2, v1  }
0xf1: {  	s31 =	sshrl.u32 s26, $0x4;
	s20 =	sadd.s32 $0x18800, s1;
	s11 =	smulhi.u32 $0x24924925, s24;
	vm1 =	veq.s32 v3, v1;
	v2 =	vld [tilespmem:s23+$0x50];
	v3 =	vsel vm0, $0x3F800000, v0  }
0xf2: {  	s24 =	smul.u32 $0x2493, s31;
	v8 =	vsel vm1, $0x3F800000, v0;
	vm0 =	veq.s32 v4, v1;
	v4 =	vld [tilespmem:s23+$0x60];
	[tilespmem:s20+$0x470] =	vst v3  }
0xf3: {  	[tilespmem:s1+$0x18800] =	vst v8;
	v3 =	vsel vm0, $0x3F800000, v0;
	vm0 =	veq.s32 v5, v1;
	v5 =	vld [tilespmem:s23+$0x70]  }
0xf4: {  	s25 =	smul.u32 $0x700, s11;
	s31 =	sshrl.u32 s24, $0x10;
	[tilespmem:s20+$0x10] =	vst v3;
	v3 =	vsel vm0, $0x3F800000, v0;
	vm0 =	veq.s32 v6, v1;
	v6 =	vld [tilespmem:s23+$0x400]  }
0xf5: {  	s24 =	smul.u32 $0x6000, s31;
	[tilespmem:s20+$0x20] =	vst v3;
	v3 =	vsel vm0, $0x3F800000, v0;
	vm0 =	veq.s32 v7, v1;
	v7 =	vld [tilespmem:s23+$0x410]  }
0xf6: {  	[tilespmem:s20+$0x30] =	vst v3;
	v3 =	vsel vm0, $0x3F800000, v0;
	vm0 =	veq.s32 v2, v1;
	v2 =	vld [tilespmem:s23+$0x420]  }
0xf7: {  	s11 =	sshll.u32 s11, $0x7;
	s1 =	ssub.s32 $0x100, s25;
	s24 =	sshrl.u32 s24, $0x2;
	v8 =	vld [tilespmem:s23+$0x430];
	[tilespmem:s20+$0x40] =	vst v3;
	v3 =	vsel vm0, $0x3F800000, v0;
	vm0 =	veq.s32 v4, v1  }
0xf8: {  	v9 =	vld [tilespmem:s23+$0x440];
	s11 =	sadd.s32 $0x80, s11;
	s29 =	sand.u32 $0xFFFFF800, s1;
	s26 =	sadd.s32 s24, s21;
	[tilespmem:s20+$0x50] =	vst v3;
	v3 =	vsel vm0, $0x3F800000, v0;
	vm0 =	veq.s32 v5, v1  }
0xf9: {  	v10 =	vld [tilespmem:s23+$0x450];
	s30 =	sand.u32 $0x380, s11;
	s1 =	sadd.s32 s29, s26;
	[tilespmem:s20+$0x60] =	vst v3;
	v3 =	vsel vm0, $0x3F800000, v0;
	vm0 =	veq.s32 v6, v1  }
0xfa: {  	s0 =	smul.u32 $0xE0000, s0;
	s24 =	sadd.s32 s30, s1;
	v6 =	vld [tilespmem:s23+$0x460];
	[tilespmem:s20+$0x70] =	vst v3;
	v3 =	vsel vm0, $0x3F800000, v0;
	vm0 =	veq.s32 v7, v1  }
0xfb: {  	v4 =	vld [tilespmem:s24+$0x470];
	[tilespmem:s20+$0x400] =	vst v3;
	v3 =	vsel vm0, $0x3F800000, v0;
	vm0 =	veq.s32 v2, v1  }
0xfc: {  	s0 =	sor.u32 s5, s0;
	v5 =	vld [tilespmem:s24+$0x0];
	[tilespmem:s20+$0x410] =	vst v3;
	v3 =	vsel vm0, $0x3F800000, v0;
	vm0 =	veq.s32 v8, v1  }
0xfd: {  	s28 =	simm.s32 $0x100;
	s0 =	sshrl.u32 s0, $0x3;
	s25 =	simm.s32 $0x10;
	v2 =	vld [tilespmem:s24+$0x10];
	[tilespmem:s20+$0x420] =	vst v3;
	v7 =	vsel vm0, $0x3F800000, v0;
	vm0 =	veq.s32 v9, v1  }
0xfe: {  	s26 =	simm.s32 $0x80;
	s23 =	sadd.s32 s2, s0;
	s0 =	sshll.u32 s31, $0xB;
	v3 =	vld [tilespmem:s24+$0x20];
	[tilespmem:s20+$0x430] =	vst v7;
	v7 =	vsel vm0, $0x3F800000, v0;
	vm0 =	veq.s32 v10, v1  }
.LBB2_11:
0xff: {  	s22 =	sadd.s32 $0x10, s22;
	s0 =	sadd.s32 s29, s0;
	v8 =	vld [tilespmem:s24+$0x30];
	s25 =	sadd.s32 $0x10, s25;
	[tilespmem:s20+$0x440] =	vst v7;
	v7 =	vsel vm0, $0x3F800000, v0;
	vm0 =	veq.s32 v6, v1  }
0x100: {  	s1 =	sshrl.u32 s25, $0x4;
	s11 =	sand.u32 $0xFFF0, s22;
	s0 =	sor.u32 s30, s0;
	v6 =	vld [tilespmem:s24+$0x40];
	vm1 =	veq.s32 v4, v1;
	[tilespmem:s20+$0x450] =	vst v7;
	v4 =	vsel vm0, $0x3F800000, v0  }
0x101: {  	s1 =	smulhi.u32 $0x24924925, s1;
	s11 =	sshrl.u32 s11, $0x4;
	vm0 =	veq.s32 v5, v1;
	v5 =	vld [tilespmem:s24+$0x50];
	v7 =	vsel vm1, $0x3F800000, v0;
	[tilespmem:s20+$0x460] =	vst v4;
	s20 =	sadd.s32 $0x18800, s0  }
0x102: {  	p0 =	slt.u32 s22, $0x300;
	s11 =	smul.u32 $0x2493, s11;
	v4 =	vsel vm0, $0x3F800000, v0;
	vm0 =	veq.s32 v2, v1;
	v2 =	vld [tilespmem:s24+$0x60];
	[tilespmem:s20+$0x470] =	vst v7  }
0x103: {  	[tilespmem:s0+$0x18800] =	vst v4;
	v4 =	vsel vm0, $0x3F800000, v0;
	vm0 =	veq.s32 v3, v1;
	v3 =	vld [tilespmem:s24+$0x70]  }
0x104: {  	s29 =	smul.u32 $0x700, s1;
	s0 =	sshrl.u32 s11, $0x10;
	[tilespmem:s20+$0x10] =	vst v4;
	v4 =	vsel vm0, $0x3F800000, v0;
	vm0 =	veq.s32 v8, v1;
	v7 =	vld [tilespmem:s24+$0x400]  }
0x105: {  	s11 =	smul.u32 $0x6000, s0;
	[tilespmem:s20+$0x20] =	vst v4;
	v4 =	vsel vm0, $0x3F800000, v0;
	vm0 =	veq.s32 v6, v1;
	v6 =	vld [tilespmem:s24+$0x410]  }
0x106: {  	s26 =	sadd.s32 $0x80, s26;
	s28 =	sadd.s32 $0x100, s28;
	[tilespmem:s20+$0x30] =	vst v4;
	v4 =	vsel vm0, $0x3F800000, v0;
	vm0 =	veq.s32 v5, v1;
	v5 =	vld [tilespmem:s24+$0x420]  }
0x107: {  	s1 =	sshll.u32 s1, $0x7;
	s29 =	ssub.s32 s28, s29;
	s11 =	sshrl.u32 s11, $0x2;
	[tilespmem:s20+$0x40] =	vst v4;
	v4 =	vsel vm0, $0x3F800000, v0;
	vm0 =	veq.s32 v2, v1;
	v2 =	vld [tilespmem:s24+$0x430]  }
0x108: {  	s1 =	sadd.s32 s1, s26;
	s29 =	sand.u32 $0xFFFFF800, s29;
	s11 =	sadd.s32 s11, s21;
	[tilespmem:s20+$0x50] =	vst v4;
	v4 =	vsel vm0, $0x3F800000, v0;
	vm0 =	veq.s32 v3, v1;
	v3 =	vld [tilespmem:s24+$0x440]  }
0x109: {  	s30 =	sand.u32 $0x380, s1;
	s1 =	sadd.s32 s29, s11;
	[tilespmem:s20+$0x60] =	vst v4;
	v4 =	vsel vm0, $0x3F800000, v0;
	vm0 =	veq.s32 v7, v1;
	v8 =	vld [tilespmem:s24+$0x450]  }
.Ltmp4:
0x10a: {  	[tilespmem:s20+$0x70] =	vst v4;
	v7 =	vsel vm0, $0x3F800000, v0;
	vm0 =	veq.s32 v6, v1;
	v6 =	vld [tilespmem:s24+$0x460];
	s24 =	sadd.s32 s30, s1;
	(pc) =	sbr.rel @p0 .LBB2_11-.Ltmp4, $4  }
0x10b: {  	v4 =	vld [tilespmem:s24+$0x470];
	[tilespmem:s20+$0x400] =	vst v7;
	v7 =	vsel vm0, $0x3F800000, v0;
	vm0 =	veq.s32 v5, v1  }
0x10c: {  	v5 =	vld [tilespmem:s24+$0x0];
	[tilespmem:s20+$0x410] =	vst v7;
	v7 =	vsel vm0, $0x3F800000, v0;
	vm0 =	veq.s32 v2, v1  }
0x10d: {  	v2 =	vld [tilespmem:s24+$0x10];
	[tilespmem:s20+$0x420] =	vst v7;
	v7 =	vsel vm0, $0x3F800000, v0;
	vm0 =	veq.s32 v3, v1  }
0x10e: {  	s0 =	sshll.u32 s0, $0xB;
	v3 =	vld [tilespmem:s24+$0x20];
	[tilespmem:s20+$0x430] =	vst v7;
	v7 =	vsel vm0, $0x3F800000, v0;
	vm0 =	veq.s32 v8, v1  }
0x10f: {  	v8 =	vld [tilespmem:s24+$0x30]  }
0x110: {  	v44 =	vld [tilespmem:s24+$0x40]  }
0x111: {  	s0 =	sadd.s32 s29, s0;
	[tilespmem:s20+$0x440] =	vst v7;
	v43 =	vsel vm0, $0x3F800000, v0;
	vm12 =	veq.s32 v6, v1;
	v46 =	vld [tilespmem:s24+$0x50]  }
0x112: {  	v51 =	vld [tilespmem:s24+$0x400];
	s0 =	sor.u32 s30, s0;
	vm1 =	veq.s32 v4, v1;
	[tilespmem:s20+$0x450] =	vst v43;
	v45 =	vsel vm12, $0x3F800000, v0  }
0x113: {  	v53 =	vld [tilespmem:s24+$0x410];
	vm13 =	veq.s32 v5, v1;
	s1 =	sadd.s32 $0x18800, s0;
	v47 =	vsel vm1, $0x3F800000, v0;
	[tilespmem:s20+$0x460] =	vst v45  }
0x114: {  	v48 =	vsel vm13, $0x3F800000, v0;
	vm14 =	veq.s32 v2, v1;
	v2 =	vld [tilespmem:s24+$0x60];
	[tilespmem:s1+$0x470] =	vst v47  }
0x115: {  	v55 =	vld [tilespmem:s24+$0x420];
	[tilespmem:s0+$0x18800] =	vst v48;
	v49 =	vsel vm14, $0x3F800000, v0;
	vm15 =	veq.s32 v3, v1  }
0x116: {  	v3 =	vld [tilespmem:s24+$0x70];
	[tilespmem:s1+$0x10] =	vst v49;
	v50 =	vsel vm15, $0x3F800000, v0;
	vm4 =	veq.s32 v8, v1  }
0x117: {  	vm5 =	veq.s32 v44, v1;
	[tilespmem:s1+$0x20] =	vst v50;
	v52 =	vsel vm4, $0x3F800000, v0  }
0x118: {  	v59 =	vld [tilespmem:s24+$0x450];
	vm6 =	veq.s32 v46, v1;
	v54 =	vsel vm5, $0x3F800000, v0;
	[tilespmem:s1+$0x30] =	vst v52  }
0x119: {  	vm9 =	veq.s32 v51, v1;
	v56 =	vsel vm6, $0x3F800000, v0;
	[tilespmem:s1+$0x40] =	vst v54;
	vm7 =	veq.s32 v2, v1;
	v2 =	vld [tilespmem:s24+$0x430]  }
0x11a: {  	v61 =	vld [tilespmem:s24+$0x460];
	vm10 =	veq.s32 v53, v1;
	v60 =	vsel vm9, $0x3F800000, v0;
	[tilespmem:s1+$0x50] =	vst v56  }
0x11b: {  	vm11 =	veq.s32 v55, v1;
	v62 =	vsel vm10, $0x3F800000, v0;
	[tilespmem:s1+$0x400] =	vst v60;
	vm8 =	veq.s32 v3, v1;
	v3 =	vld [tilespmem:s24+$0x440]  }
0x11c: {  	v63 =	vsel vm11, $0x3F800000, v0;
	[tilespmem:s1+$0x410] =	vst v62  }
0x11d: {  	[tilespmem:s1+$0x420] =	vst v63;
	v57 =	vsel vm7, $0x3F800000, v0  }
0x11e: {  	s19 =	sadd.s32 $0x1, s19;
	[tilespmem:s1+$0x60] =	vst v57;
	v58 =	vsel vm8, $0x3F800000, v0;
	vm12 =	veq.s32 v2, v1  }
0x11f: {  	p0 =	sne.s32 s19, $0xA;
	vm15 =	veq.s32 v61, v1;
	[tilespmem:s1+$0x70] =	vst v58;
	v2 =	vsel vm12, $0x3F800000, v0  }
.Ltmp5:
0x120: {  	vm14 =	veq.s32 v59, v1;
	vm13 =	veq.s32 v3, v1;
	v1 =	vsel vm15, $0x3F800000, v0;
	[tilespmem:s1+$0x430] =	vst v2;
	(pc) =	sbr.rel @p0 .LBB2_8-.Ltmp5, $4  }
0x121: {  	v2 =	vsel vm13, $0x3F800000, v0;
	[tilespmem:s1+$0x460] =	vst v1  }
0x122: {  	[tilespmem:s1+$0x440] =	vst v2;
	v2 =	vsel vm14, $0x3F800000, v0  }
0x123: {  	[tilespmem:s1+$0x450] =	vst v2  }
0x124: {  	[hbm4b:s23+s9] =	stream.strided.scatter [tilespmem:s14], [sflag:$0x4], $0x3800, s10, s9, $0x38;
	[tilespmem:$0x1C000] =	vst v63  }
0x125: {  	s18 =	sadd.s32 $0x1, s18  }
0x126: {  	_ =	swait.ge [sflag:s16], $0x3800;
	p0 =	sne.s32 s18, s8  }
.Ltmp6:
0x127: {  	[sflag:s16] =	ssyncset.done $0x0;
	(pc) =	sbr.rel @p0 .LBB2_1-.Ltmp6, $4  }
0x128: {  	[sflag:s16] =	ssyncadd.s32 $0xFFFFC800  }
0x129: {  	_ =	swait.ge [sflag:s17], $0x3800  }
0x12a: {  	[sflag:s17] =	ssyncset.done $0x0  }
0x12b: {  	[sflag:s17] =	ssyncadd.s32 $0xFFFFC800  }
0x12c: {  	_ =	sfence.sel $0x180000  }
0x12d: {  	[bflag:$0x0] =	sbarrier.arrive $0xFFFF  }
0x12e: {  	_ =	strace $0x90000047  }
0x12f: {  	s0 =	stileid.u32;
	[bflag:$0x2] =	sbarrier.arrive $0xFFFF  }
0x130: {  	p0 =	sne.s32 s0, $0x0;
	s0 =	rddreg [dreg:$0x2]  }
0x131: {  	s0 =	sadd.s32 @!p0 $0x100000, s0  }
0x132: {  	[sflag:s0] =	ssyncadd.tile.s32 @!p0 $0x1;
	_ =	shalt  }
.Lfunc_end2:
_tile_overlayer_lowered:
.L_overlay_start_2:
0x133: {  	(tag) =	ssettag $0x2  }
0x134: {  	s0 =	rddreg [dreg:$0x0];
	s2 =	stileid.u32  }
0x135: {  	s1 =	rddreg [dreg:$0x1];
	p0 =	sne.s32 s2, $0x0  }
0x136: {  	s3 =	rddreg [dreg:$0x2];
	[bflag:$0x3] =	sbarrier.arrive $0xFFFF;
	s2 =	simm.s32 @!p0 $0x1C05  }
0x137: {  	[timem:s3], [sflag:s2] =	dma.local @!p0 [hbm:s0], s1  }
0x138: {  	s0 =	simm.s32 @!p0 $0x5  }
0x139: {  	_ =	swait.ge @!p0 [sflag:s0], s1  }
0x13a: {  	s1 =	ssub.s32 @!p0 $0x0, s1;
	[sflag:s0] =	ssyncset.done @!p0 $0x0  }
0x13b: {  	[sflag:s0] =	ssyncadd.s32 @!p0 s1  }
0x13c: {  	[bflag:$0x3] =	sbarrier.arrive $0xFFFF  }
0x13d: {  	_ =	shalt  }

</sc_bundles>
